<compile_context>
chip_gen: v7x
topology: tpu7x:2x2x1
jax: 0.10.2.dev20260603
libtpu: 0.0.44.dev20260713+nightly
codegen_flags: <defaults>
</compile_context>

<pallas_src>
import functools

import jax
import jax.numpy as jnp
from jax import lax
from jax.experimental import pallas as pl
from jax.experimental.pallas import tpu as pltpu
from jax.experimental.pallas import tpu_sc as plsc

N_NODES = 10000
N_EDGES = 160000
DIM = 256
HALF = 128
NC = 2
NS = 16

E_PER_TILE = N_EDGES // NS
CK = 100
NCH = E_PER_TILE // CK
E_PER_TILE_D = N_EDGES // (NC * NS)
CKD = 1000
NCHD = E_PER_TILE_D // CKD
ROWS_PER_TILE = N_NODES // NS

_sc_mesh = plsc.VectorSubcoreMesh(core_axis_name="c", subcore_axis_name="s")
_sc_params = pltpu.CompilerParams(use_tc_tiling_on_sc=False)


@functools.partial(
    pl.kernel,
    out_type=jax.ShapeDtypeStruct((NC, NS, ROWS_PER_TILE, 16), jnp.float32),
    mesh=_sc_mesh,
    scratch_types=[
        pltpu.VMEM((NCHD, CKD), jnp.int32),
        pltpu.VMEM((CKD, 16), jnp.float32),
        pltpu.VMEM((CKD, 16), jnp.float32),
        pltpu.VMEM_SHARED((N_NODES, 16), jnp.float32),
    ],
    compiler_params=_sc_params,
)
def _deg_kernel(dst_hbm, ones_hbm, out_hbm, dst_v, ones_v, zero_v, deg_sh):
    cid = lax.axis_index("c")
    sid = lax.axis_index("s")
    base = sid * ROWS_PER_TILE
    pltpu.sync_copy(dst_hbm.at[cid, sid], dst_v)
    pltpu.sync_copy(ones_hbm.at[0], ones_v)
    pltpu.sync_copy(ones_hbm.at[1], zero_v)
    pltpu.sync_copy(zero_v.at[pl.ds(0, ROWS_PER_TILE)],
                    deg_sh.at[pl.ds(base, ROWS_PER_TILE)])
    plsc.subcore_barrier()
    for j in range(NCHD):
        pltpu.sync_copy(ones_v, deg_sh.at[dst_v.at[j]], add=True)
    plsc.subcore_barrier()
    pltpu.sync_copy(deg_sh.at[pl.ds(base, ROWS_PER_TILE)],
                    out_hbm.at[cid, sid])


@functools.partial(
    pl.kernel,
    out_type=jax.ShapeDtypeStruct((NC, NS, ROWS_PER_TILE, HALF), jnp.float32),
    mesh=_sc_mesh,
    scratch_types=[
        pltpu.VMEM((NCH, CK), jnp.int32),
        pltpu.VMEM((NCH, CK), jnp.int32),
        pltpu.VMEM((CK, 64), jnp.float32),
        pltpu.VMEM((CK, 64), jnp.float32),
        pltpu.VMEM_SHARED((N_NODES, HALF), jnp.float32),
        pltpu.SemaphoreType.DMA,
        pltpu.SemaphoreType.DMA,
        pltpu.SemaphoreType.DMA,
        pltpu.SemaphoreType.DMA,
    ],
    compiler_params=_sc_params,
)
def _agg_kernel(g_hbm, src_hbm, dst_hbm, zeros_hbm, out_hbm,
                src_v, dst_v, rows0, rows1, acc_sh, sg0, sg1, ss0, ss1):
    cid = lax.axis_index("c")
    sid = lax.axis_index("s")
    base = sid * ROWS_PER_TILE
    pltpu.sync_copy(src_hbm.at[cid, sid], src_v)
    pltpu.sync_copy(dst_hbm.at[sid], dst_v)
    plsc.subcore_barrier()

    def g_start(k, buf, sem):
        pltpu.async_copy(g_hbm.at[src_v.at[k]], buf, sem)

    def g_wait(k, buf, sem):
        pltpu.make_async_copy(g_hbm.at[src_v.at[k]], buf, sem).wait()

    def s_start(k, buf, sem):
        pltpu.async_copy(buf, acc_sh.at[dst_v.at[k]], sem, add=True)

    def s_wait(k, buf, sem):
        pltpu.make_async_copy(buf, acc_sh.at[dst_v.at[k]], sem).wait()

    g_start(0, rows0, sg0)

    def body(i, _):
        a = 2 * i
        b = a + 1
        g_wait(a, rows0, sg0)
        pass_0 = 0

        g_start(b, rows1, sg1)
        g_wait(b, rows1, sg1)


        @pl.when(i < NCH // 2 - 1)
        def _next_gather():
            g_start(a + 2, rows0, sg0)

        return ()

    lax.fori_loop(0, NCH // 2, body, ())
    plsc.subcore_barrier()
    pltpu.sync_copy(acc_sh.at[pl.ds(base, ROWS_PER_TILE)],
                    out_hbm.at[cid, sid])


BM = 1000


def _dinv_block(deg_ref):
    d = deg_ref[0, :, 0:1] + deg_ref[1, :, 0:1] + 1.0
    return lax.rsqrt(d)


def _mm1_body(x_ref, w_ref, deg_ref, out_ref):
    dinv = _dinv_block(deg_ref)
    g = jnp.dot(x_ref[...], w_ref[...], preferred_element_type=jnp.float32)
    g = g * dinv
    out_ref[0] = g[:, :HALF]
    out_ref[1] = g[:, HALF:]


def _mid_body(acc_ref, g_ref, deg_ref, w_ref, b_ref, out_ref):
    dinv = _dinv_block(deg_ref)
    t0 = (acc_ref[0] + g_ref[0]) * dinv + b_ref[0, :HALF]
    t1 = (acc_ref[1] + g_ref[1]) * dinv + b_ref[0, HALF:]
    t = jnp.maximum(jnp.concatenate([t0, t1], axis=1), 0.0)
    g2 = jnp.dot(t, w_ref[...], preferred_element_type=jnp.float32) * dinv
    out_ref[0] = g2[:, :HALF]
    out_ref[1] = g2[:, HALF:]


def _fin_body(acc_ref, g_ref, deg_ref, b_ref, out_ref):
    dinv = _dinv_block(deg_ref)
    t0 = (acc_ref[0] + g_ref[0]) * dinv + b_ref[0, :HALF]
    t1 = (acc_ref[1] + g_ref[1]) * dinv + b_ref[0, HALF:]
    out_ref[:, :HALF] = jnp.maximum(t0, 0.0)
    out_ref[:, HALF:] = jnp.maximum(t1, 0.0)


_half3_spec = pl.BlockSpec((NC, BM, HALF), lambda i: (0, i, 0))
_deg_spec = pl.BlockSpec((NC, BM, 16), lambda i: (0, i, 0))
_bias_spec = pl.BlockSpec((1, DIM), lambda i: (0, 0))

_mm1_call = pl.pallas_call(
    _mm1_body,
    grid=(N_NODES // BM,),
    in_specs=[
        pl.BlockSpec((BM, DIM), lambda i: (i, 0)),
        pl.BlockSpec((DIM, DIM), lambda i: (0, 0)),
        _deg_spec,
    ],
    out_specs=_half3_spec,
    out_shape=jax.ShapeDtypeStruct((NC, N_NODES, HALF), jnp.float32),
)

_mid_call = pl.pallas_call(
    _mid_body,
    grid=(N_NODES // BM,),
    in_specs=[
        _half3_spec,
        _half3_spec,
        _deg_spec,
        pl.BlockSpec((DIM, DIM), lambda i: (0, 0)),
        _bias_spec,
    ],
    out_specs=_half3_spec,
    out_shape=jax.ShapeDtypeStruct((NC, N_NODES, HALF), jnp.float32),
)

_fin_call = pl.pallas_call(
    _fin_body,
    grid=(N_NODES // BM,),
    in_specs=[_half3_spec, _half3_spec, _deg_spec, _bias_spec],
    out_specs=pl.BlockSpec((BM, DIM), lambda i: (i, 0)),
    out_shape=jax.ShapeDtypeStruct((N_NODES, DIM), jnp.float32),
)


def kernel(x, edge_index, W1, b1, W2, b2):
    src = edge_index[0].astype(jnp.int32)
    dst = edge_index[1].astype(jnp.int32)

    dst_deg = dst.reshape(NC, NS, NCHD, CKD)
    src_t = src.reshape(NS, NCH, CK)
    src_agg = jnp.stack([src_t, src_t + N_NODES])
    dst_agg = dst.reshape(NS, NCH, CK)
    ones16 = jnp.stack([jnp.ones((CKD, 16), jnp.float32),
                        jnp.zeros((CKD, 16), jnp.float32)])
    zeros_half = jnp.zeros((CK, HALF), jnp.float32)
    b1r = b1.reshape(1, DIM)
    b2r = b2.reshape(1, DIM)

    deg16 = _deg_kernel(dst_deg, ones16).reshape(NC, N_NODES, 16)
    g1 = _mm1_call(x, W1, deg16)
    acc1 = _agg_kernel(g1.reshape(NC * N_NODES * 2, 64), src_agg * 2, dst_agg,
                       zeros_half).reshape(NC, N_NODES, HALF)
    g2 = _mid_call(acc1, g1, deg16, W2, b1r)
    acc2 = _agg_kernel(g2.reshape(NC * N_NODES * 2, 64), src_agg * 2, dst_agg,
                       zeros_half).reshape(NC, N_NODES, HALF)
    out = _fin_call(acc2, g2, deg16, b2r)
    return out

# --- scband reference (transcript-rebuilt; emitter-appended) ---
"""Pipeline reference for scband-gcn-2748779069618 (READ-ONLY COPY).

The authoritative reference and input builder live on the scoring server;
editing this copy changes nothing except your own understanding.
"""

import jax, jax.numpy as jnp
import numpy as np

N_NODES = 10000
N_EDGES = 160000
IN_DIM = 256
HIDDEN = 256


def setup_inputs(seed: int = 0) -> dict:
    key = jax.random.key(seed)
    k1, k2, k3, k4, k5, k6 = jax.random.split(key, 6)
    x = jax.random.normal(k1, (N_NODES, IN_DIM), dtype=jnp.float32)
    edge_index = jax.random.randint(k2, (2, N_EDGES), 0, N_NODES, dtype=jnp.int64)
    s1 = (1.0 / np.sqrt(IN_DIM)).astype(np.float32) if isinstance(np.sqrt(IN_DIM), np.ndarray) else np.float32(1.0 / np.sqrt(IN_DIM))
    s2 = np.float32(1.0 / np.sqrt(HIDDEN))
    W1 = jax.random.uniform(k3, (IN_DIM, HIDDEN), dtype=jnp.float32, minval=-s1, maxval=s1)
    b1 = jnp.zeros((HIDDEN,), dtype=jnp.float32)
    W2 = jax.random.uniform(k4, (HIDDEN, HIDDEN), dtype=jnp.float32, minval=-s2, maxval=s2)
    b2 = jnp.zeros((HIDDEN,), dtype=jnp.float32)
    return {"x": x, "edge_index": edge_index, "W1": W1, "b1": b1, "W2": W2, "b2": b2}


def _gcn_conv(x, src, dst, W, b, num_nodes):
    # GCNConv: linear transform, symmetric normalization with self-loops, scatter-add aggregation
    h = x @ W
    loop = jnp.arange(num_nodes, dtype=src.dtype)
    src_sl = jnp.concatenate([src, loop])
    dst_sl = jnp.concatenate([dst, loop])
    deg = jnp.zeros((num_nodes,), dtype=h.dtype).at[dst_sl].add(1.0)
    dinv = jnp.where(deg > 0, deg ** -0.5, 0.0)
    norm = dinv[src_sl] * dinv[dst_sl]
    msg = h[src_sl] * norm[:, None]
    out = jnp.zeros((num_nodes, h.shape[1]), dtype=h.dtype).at[dst_sl].add(msg)
    return out + b


def reference(x, edge_index, W1, b1, W2, b2):
    num_nodes = x.shape[0]
    src = edge_index[0]
    dst = edge_index[1]
    # layer 1 (dropout is identity in eval mode)
    h = _gcn_conv(x, src, dst, W1, b1, num_nodes)
    h = jax.nn.relu(h)
    # layer 2
    h = _gcn_conv(h, src, dst, W2, b2, num_nodes)
    h = jax.nn.relu(h)
    return h


if False:  # reference __main__ guard neutralized (emitter)
    inp = setup_inputs()
    out = reference(**inp)
    print(out.shape, out.dtype)

if __name__ == "__main__":
    import jax
    _d = setup_inputs()
    print(jax.jit(kernel)(*tuple(_d.values())))

</pallas_src>

<mosaic_0001>
#map = affine_map<(d0, d1) -> (0, 0, 0, 0)>
#map1 = affine_map<(d0, d1) -> (0, 0, 0)>
module attributes {stable_mosaic.version = 14 : i64} {
  func.func @_deg_kernel(%arg0: i32, %arg1: i32, %arg2: memref<2x16x5x1000xi32, #tpu.memory_space<hbm>>, %arg3: memref<2x1000x16xf32, #tpu.memory_space<hbm>>, %arg4: memref<2x16x625x16xf32, #tpu.memory_space<hbm>>, %arg5: memref<5x1000xi32, #tpu.memory_space<vmem>>, %arg6: memref<1000x16xf32, #tpu.memory_space<vmem>>, %arg7: memref<1000x16xf32, #tpu.memory_space<vmem>>, %arg8: memref<10000x16xf32, #tpu.memory_space<vmem_shared>>) attributes {dimension_semantics = [#tpu.dimension_semantics<core_parallel>, #tpu.dimension_semantics<subcore_parallel>], iteration_bounds = array<i64: 2, 16>, scalar_prefetch = 0 : i64, scratch_operands = 4 : i64, tpu.core_type = #tpu.core_type<sc_vector_subcore>, window_params = [{transform_indices = #map}, {transform_indices = #map1}, {transform_indices = #map}]} {
    %mul3A = arith.constant 625 : i32
    %mul3A_0 = arith.muli %arg1, %mul3A : i32
    "tpu.region"() ({
      %run_scoped3A_8 = tpu.sem_alloc : memref<!tpu.dma_semaphore, #tpu.memory_space<semaphore_mem>>
      %dma_start3A = arith.constant 0 : i32
      %dma_start3A_9 = arith.constant 0 : i32
      %dma_start3A_10 = tpu.memref_slice %arg2[%arg0, %arg1, %dma_start3A, %dma_start3A_9] : memref<2x16x5x1000xi32, #tpu.memory_space<hbm>> -> memref<1x1x5x1000xi32, #tpu.memory_space<hbm>>
      %dma_start3A_11 = tpu.memref_squeeze %dma_start3A_10 : memref<1x1x5x1000xi32, #tpu.memory_space<hbm>> -> memref<5x1000xi32, #tpu.memory_space<hbm>>
      %dma_start3A_12 = arith.constant 0 : i32
      %dma_start3A_13 = arith.constant 0 : i32
      %dma_start3A_14 = tpu.memref_slice %arg2[%arg0, %arg1, %dma_start3A_12, %dma_start3A_13] : memref<2x16x5x1000xi32, #tpu.memory_space<hbm>> -> memref<1x1x5x1000xi32, #tpu.memory_space<hbm>>
      %dma_start3A_15 = tpu.memref_squeeze %dma_start3A_14 : memref<1x1x5x1000xi32, #tpu.memory_space<hbm>> -> memref<5x1000xi32, #tpu.memory_space<hbm>>
      tpu.enqueue_dma source(%dma_start3A_15 : memref<5x1000xi32, #tpu.memory_space<hbm>>) target(%arg5 : memref<5x1000xi32, #tpu.memory_space<vmem>>) target_semaphore(%run_scoped3A_8 : memref<!tpu.dma_semaphore, #tpu.memory_space<semaphore_mem>>)
      %dma_wait3A = arith.constant 0 : i32
      %dma_wait3A_16 = arith.constant 0 : i32
      %dma_wait3A_17 = tpu.memref_slice %arg2[%arg0, %arg1, %dma_wait3A, %dma_wait3A_16] : memref<2x16x5x1000xi32, #tpu.memory_space<hbm>> -> memref<1x1x5x1000xi32, #tpu.memory_space<hbm>>
      %dma_wait3A_18 = tpu.memref_squeeze %dma_wait3A_17 : memref<1x1x5x1000xi32, #tpu.memory_space<hbm>> -> memref<5x1000xi32, #tpu.memory_space<hbm>>
      %dma_wait3A_19 = arith.constant 0 : i32
      %dma_wait3A_20 = arith.constant 0 : i32
      %dma_wait3A_21 = tpu.memref_slice %arg2[%arg0, %arg1, %dma_wait3A_19, %dma_wait3A_20] : memref<2x16x5x1000xi32, #tpu.memory_space<hbm>> -> memref<1x1x5x1000xi32, #tpu.memory_space<hbm>>
      %dma_wait3A_22 = tpu.memref_squeeze %dma_wait3A_21 : memref<1x1x5x1000xi32, #tpu.memory_space<hbm>> -> memref<5x1000xi32, #tpu.memory_space<hbm>>
      tpu.wait_dma2 semaphore(%run_scoped3A_8 : memref<!tpu.dma_semaphore, #tpu.memory_space<semaphore_mem>>) src(%dma_wait3A_22 : memref<5x1000xi32, #tpu.memory_space<hbm>>) dst(%arg5 : memref<5x1000xi32, #tpu.memory_space<vmem>>)
      tpu.yield
    }) : () -> ()
    %run_scoped3A = arith.constant 0 : i32
    "tpu.region"() ({
      %run_scoped3A_8 = tpu.sem_alloc : memref<!tpu.dma_semaphore, #tpu.memory_space<semaphore_mem>>
      %dma_start3A = arith.constant 0 : i32
      %dma_start3A_9 = arith.constant 0 : i32
      %dma_start3A_10 = tpu.memref_slice %arg3[%run_scoped3A, %dma_start3A, %dma_start3A_9] : memref<2x1000x16xf32, #tpu.memory_space<hbm>> -> memref<1x1000x16xf32, #tpu.memory_space<hbm>>
      %dma_start3A_11 = tpu.memref_squeeze %dma_start3A_10 : memref<1x1000x16xf32, #tpu.memory_space<hbm>> -> memref<1000x16xf32, #tpu.memory_space<hbm>>
      %dma_start3A_12 = arith.constant 0 : i32
      %dma_start3A_13 = arith.constant 0 : i32
      %dma_start3A_14 = tpu.memref_slice %arg3[%run_scoped3A, %dma_start3A_12, %dma_start3A_13] : memref<2x1000x16xf32, #tpu.memory_space<hbm>> -> memref<1x1000x16xf32, #tpu.memory_space<hbm>>
      %dma_start3A_15 = tpu.memref_squeeze %dma_start3A_14 : memref<1x1000x16xf32, #tpu.memory_space<hbm>> -> memref<1000x16xf32, #tpu.memory_space<hbm>>
      tpu.enqueue_dma source(%dma_start3A_15 : memref<1000x16xf32, #tpu.memory_space<hbm>>) target(%arg6 : memref<1000x16xf32, #tpu.memory_space<vmem>>) target_semaphore(%run_scoped3A_8 : memref<!tpu.dma_semaphore, #tpu.memory_space<semaphore_mem>>)
      %dma_wait3A = arith.constant 0 : i32
      %dma_wait3A_16 = arith.constant 0 : i32
      %dma_wait3A_17 = tpu.memref_slice %arg3[%run_scoped3A, %dma_wait3A, %dma_wait3A_16] : memref<2x1000x16xf32, #tpu.memory_space<hbm>> -> memref<1x1000x16xf32, #tpu.memory_space<hbm>>
      %dma_wait3A_18 = tpu.memref_squeeze %dma_wait3A_17 : memref<1x1000x16xf32, #tpu.memory_space<hbm>> -> memref<1000x16xf32, #tpu.memory_space<hbm>>
      %dma_wait3A_19 = arith.constant 0 : i32
      %dma_wait3A_20 = arith.constant 0 : i32
      %dma_wait3A_21 = tpu.memref_slice %arg3[%run_scoped3A, %dma_wait3A_19, %dma_wait3A_20] : memref<2x1000x16xf32, #tpu.memory_space<hbm>> -> memref<1x1000x16xf32, #tpu.memory_space<hbm>>
      %dma_wait3A_22 = tpu.memref_squeeze %dma_wait3A_21 : memref<1x1000x16xf32, #tpu.memory_space<hbm>> -> memref<1000x16xf32, #tpu.memory_space<hbm>>
      tpu.wait_dma2 semaphore(%run_scoped3A_8 : memref<!tpu.dma_semaphore, #tpu.memory_space<semaphore_mem>>) src(%dma_wait3A_22 : memref<1000x16xf32, #tpu.memory_space<hbm>>) dst(%arg6 : memref<1000x16xf32, #tpu.memory_space<vmem>>)
      tpu.yield
    }) : () -> ()
    %run_scoped3A_1 = arith.constant 1 : i32
    "tpu.region"() ({
      %run_scoped3A_8 = tpu.sem_alloc : memref<!tpu.dma_semaphore, #tpu.memory_space<semaphore_mem>>
      %dma_start3A = arith.constant 0 : i32
      %dma_start3A_9 = arith.constant 0 : i32
      %dma_start3A_10 = tpu.memref_slice %arg3[%run_scoped3A_1, %dma_start3A, %dma_start3A_9] : memref<2x1000x16xf32, #tpu.memory_space<hbm>> -> memref<1x1000x16xf32, #tpu.memory_space<hbm>>
      %dma_start3A_11 = tpu.memref_squeeze %dma_start3A_10 : memref<1x1000x16xf32, #tpu.memory_space<hbm>> -> memref<1000x16xf32, #tpu.memory_space<hbm>>
      %dma_start3A_12 = arith.constant 0 : i32
      %dma_start3A_13 = arith.constant 0 : i32
      %dma_start3A_14 = tpu.memref_slice %arg3[%run_scoped3A_1, %dma_start3A_12, %dma_start3A_13] : memref<2x1000x16xf32, #tpu.memory_space<hbm>> -> memref<1x1000x16xf32, #tpu.memory_space<hbm>>
      %dma_start3A_15 = tpu.memref_squeeze %dma_start3A_14 : memref<1x1000x16xf32, #tpu.memory_space<hbm>> -> memref<1000x16xf32, #tpu.memory_space<hbm>>
      tpu.enqueue_dma source(%dma_start3A_15 : memref<1000x16xf32, #tpu.memory_space<hbm>>) target(%arg7 : memref<1000x16xf32, #tpu.memory_space<vmem>>) target_semaphore(%run_scoped3A_8 : memref<!tpu.dma_semaphore, #tpu.memory_space<semaphore_mem>>)
      %dma_wait3A = arith.constant 0 : i32
      %dma_wait3A_16 = arith.constant 0 : i32
      %dma_wait3A_17 = tpu.memref_slice %arg3[%run_scoped3A_1, %dma_wait3A, %dma_wait3A_16] : memref<2x1000x16xf32, #tpu.memory_space<hbm>> -> memref<1x1000x16xf32, #tpu.memory_space<hbm>>
      %dma_wait3A_18 = tpu.memref_squeeze %dma_wait3A_17 : memref<1x1000x16xf32, #tpu.memory_space<hbm>> -> memref<1000x16xf32, #tpu.memory_space<hbm>>
      %dma_wait3A_19 = arith.constant 0 : i32
      %dma_wait3A_20 = arith.constant 0 : i32
      %dma_wait3A_21 = tpu.memref_slice %arg3[%run_scoped3A_1, %dma_wait3A_19, %dma_wait3A_20] : memref<2x1000x16xf32, #tpu.memory_space<hbm>> -> memref<1x1000x16xf32, #tpu.memory_space<hbm>>
      %dma_wait3A_22 = tpu.memref_squeeze %dma_wait3A_21 : memref<1x1000x16xf32, #tpu.memory_space<hbm>> -> memref<1000x16xf32, #tpu.memory_space<hbm>>
      tpu.wait_dma2 semaphore(%run_scoped3A_8 : memref<!tpu.dma_semaphore, #tpu.memory_space<semaphore_mem>>) src(%dma_wait3A_22 : memref<1000x16xf32, #tpu.memory_space<hbm>>) dst(%arg7 : memref<1000x16xf32, #tpu.memory_space<vmem>>)
      tpu.yield
    }) : () -> ()
    "tpu.region"() ({
      %run_scoped3A_8 = tpu.sem_alloc : memref<!tpu.dma_semaphore, #tpu.memory_space<semaphore_mem>>
      %dma_start3A = arith.constant 0 : i32
      %dma_start3A_9 = arith.constant 0 : i32
      %dma_start3A_10 = tpu.memref_slice %arg7[%dma_start3A, %dma_start3A_9] : memref<1000x16xf32, #tpu.memory_space<vmem>> -> memref<625x16xf32, #tpu.memory_space<vmem>>
      %dma_start3A_11 = arith.constant 0 : i32
      %dma_start3A_12 = tpu.memref_slice %arg8[%mul3A_0, %dma_start3A_11] : memref<10000x16xf32, #tpu.memory_space<vmem_shared>> -> memref<625x16xf32, #tpu.memory_space<vmem_shared>>
      %dma_start3A_13 = arith.constant 0 : i32
      %dma_start3A_14 = tpu.memref_slice %arg8[%mul3A_0, %dma_start3A_13] : memref<10000x16xf32, #tpu.memory_space<vmem_shared>> -> memref<625x16xf32, #tpu.memory_space<vmem_shared>>
      %dma_start3A_15 = arith.constant 0 : i32
      %dma_start3A_16 = arith.constant 0 : i32
      %dma_start3A_17 = tpu.memref_slice %arg7[%dma_start3A_15, %dma_start3A_16] : memref<1000x16xf32, #tpu.memory_space<vmem>> -> memref<625x16xf32, #tpu.memory_space<vmem>>
      tpu.enqueue_dma source(%dma_start3A_17 : memref<625x16xf32, #tpu.memory_space<vmem>>) target(%dma_start3A_14 : memref<625x16xf32, #tpu.memory_space<vmem_shared>>) target_semaphore(%run_scoped3A_8 : memref<!tpu.dma_semaphore, #tpu.memory_space<semaphore_mem>>)
      %dma_wait3A = arith.constant 0 : i32
      %dma_wait3A_18 = arith.constant 0 : i32
      %dma_wait3A_19 = tpu.memref_slice %arg7[%dma_wait3A, %dma_wait3A_18] : memref<1000x16xf32, #tpu.memory_space<vmem>> -> memref<625x16xf32, #tpu.memory_space<vmem>>
      %dma_wait3A_20 = arith.constant 0 : i32
      %dma_wait3A_21 = tpu.memref_slice %arg8[%mul3A_0, %dma_wait3A_20] : memref<10000x16xf32, #tpu.memory_space<vmem_shared>> -> memref<625x16xf32, #tpu.memory_space<vmem_shared>>
      %dma_wait3A_22 = arith.constant 0 : i32
      %dma_wait3A_23 = tpu.memref_slice %arg8[%mul3A_0, %dma_wait3A_22] : memref<10000x16xf32, #tpu.memory_space<vmem_shared>> -> memref<625x16xf32, #tpu.memory_space<vmem_shared>>
      %dma_wait3A_24 = arith.constant 0 : i32
      %dma_wait3A_25 = arith.constant 0 : i32
      %dma_wait3A_26 = tpu.memref_slice %arg7[%dma_wait3A_24, %dma_wait3A_25] : memref<1000x16xf32, #tpu.memory_space<vmem>> -> memref<625x16xf32, #tpu.memory_space<vmem>>
      tpu.wait_dma2 semaphore(%run_scoped3A_8 : memref<!tpu.dma_semaphore, #tpu.memory_space<semaphore_mem>>) src(%dma_wait3A_26 : memref<625x16xf32, #tpu.memory_space<vmem>>) dst(%dma_wait3A_23 : memref<625x16xf32, #tpu.memory_space<vmem_shared>>)
      tpu.yield
    }) : () -> ()
    %barrier3A = arith.constant 0 : index
    tpu.barrier barrier_id(%barrier3A)
    %run_scoped3A_2 = arith.constant 0 : i32
    "tpu.region"() ({
      %run_scoped3A_8 = tpu.sem_alloc : memref<!tpu.dma_semaphore, #tpu.memory_space<semaphore_mem>>
      %dma_start3A = arith.constant 0 : i32
      %dma_start3A_9 = tpu.memref_slice %arg5[%run_scoped3A_2, %dma_start3A] : memref<5x1000xi32, #tpu.memory_space<vmem>> -> memref<1x1000xi32, #tpu.memory_space<vmem>>
      %dma_start3A_10 = tpu.memref_squeeze %dma_start3A_9 : memref<1x1000xi32, #tpu.memory_space<vmem>> -> memref<1000xi32, #tpu.memory_space<vmem>>
      %dma_start3A_11 = arith.constant 0 : i32
      %dma_start3A_12 = arith.constant 0 : i32
      %dma_start3A_13 = tpu.memref_slice %arg8[%dma_start3A_11, %dma_start3A_12] : memref<10000x16xf32, #tpu.memory_space<vmem_shared>> -> memref<10000x16xf32, #tpu.memory_space<vmem_shared>>
      tpu.enqueue_indirect_dma source(%arg6 : memref<1000x16xf32, #tpu.memory_space<vmem>>) target(%dma_start3A_13 : memref<10000x16xf32, #tpu.memory_space<vmem_shared>>) offsets(%dma_start3A_10 : memref<1000xi32, #tpu.memory_space<vmem>>) semaphore(%run_scoped3A_8 : memref<!tpu.dma_semaphore, #tpu.memory_space<semaphore_mem>>) {add = true}
      %dma_wait3A = arith.constant 0 : i32
      %dma_wait3A_14 = tpu.memref_slice %arg5[%run_scoped3A_2, %dma_wait3A] : memref<5x1000xi32, #tpu.memory_space<vmem>> -> memref<1x1000xi32, #tpu.memory_space<vmem>>
      %dma_wait3A_15 = tpu.memref_squeeze %dma_wait3A_14 : memref<1x1000xi32, #tpu.memory_space<vmem>> -> memref<1000xi32, #tpu.memory_space<vmem>>
      %dma_wait3A_16 = arith.constant 0 : i32
      %dma_wait3A_17 = arith.constant 0 : i32
      %dma_wait3A_18 = tpu.memref_slice %arg8[%dma_wait3A_16, %dma_wait3A_17] : memref<10000x16xf32, #tpu.memory_space<vmem_shared>> -> memref<10000x16xf32, #tpu.memory_space<vmem_shared>>
      tpu.wait_indirect_dma semaphore(%run_scoped3A_8 : memref<!tpu.dma_semaphore, #tpu.memory_space<semaphore_mem>>) src(%arg6 : memref<1000x16xf32, #tpu.memory_space<vmem>>) dst(%dma_wait3A_18 : memref<10000x16xf32, #tpu.memory_space<vmem_shared>>)
      tpu.yield
    }) : () -> ()
    %run_scoped3A_3 = arith.constant 1 : i32
    "tpu.region"() ({
      %run_scoped3A_8 = tpu.sem_alloc : memref<!tpu.dma_semaphore, #tpu.memory_space<semaphore_mem>>
      %dma_start3A = arith.constant 0 : i32
      %dma_start3A_9 = tpu.memref_slice %arg5[%run_scoped3A_3, %dma_start3A] : memref<5x1000xi32, #tpu.memory_space<vmem>> -> memref<1x1000xi32, #tpu.memory_space<vmem>>
      %dma_start3A_10 = tpu.memref_squeeze %dma_start3A_9 : memref<1x1000xi32, #tpu.memory_space<vmem>> -> memref<1000xi32, #tpu.memory_space<vmem>>
      %dma_start3A_11 = arith.constant 0 : i32
      %dma_start3A_12 = arith.constant 0 : i32
      %dma_start3A_13 = tpu.memref_slice %arg8[%dma_start3A_11, %dma_start3A_12] : memref<10000x16xf32, #tpu.memory_space<vmem_shared>> -> memref<10000x16xf32, #tpu.memory_space<vmem_shared>>
      tpu.enqueue_indirect_dma source(%arg6 : memref<1000x16xf32, #tpu.memory_space<vmem>>) target(%dma_start3A_13 : memref<10000x16xf32, #tpu.memory_space<vmem_shared>>) offsets(%dma_start3A_10 : memref<1000xi32, #tpu.memory_space<vmem>>) semaphore(%run_scoped3A_8 : memref<!tpu.dma_semaphore, #tpu.memory_space<semaphore_mem>>) {add = true}
      %dma_wait3A = arith.constant 0 : i32
      %dma_wait3A_14 = tpu.memref_slice %arg5[%run_scoped3A_3, %dma_wait3A] : memref<5x1000xi32, #tpu.memory_space<vmem>> -> memref<1x1000xi32, #tpu.memory_space<vmem>>
      %dma_wait3A_15 = tpu.memref_squeeze %dma_wait3A_14 : memref<1x1000xi32, #tpu.memory_space<vmem>> -> memref<1000xi32, #tpu.memory_space<vmem>>
      %dma_wait3A_16 = arith.constant 0 : i32
      %dma_wait3A_17 = arith.constant 0 : i32
      %dma_wait3A_18 = tpu.memref_slice %arg8[%dma_wait3A_16, %dma_wait3A_17] : memref<10000x16xf32, #tpu.memory_space<vmem_shared>> -> memref<10000x16xf32, #tpu.memory_space<vmem_shared>>
      tpu.wait_indirect_dma semaphore(%run_scoped3A_8 : memref<!tpu.dma_semaphore, #tpu.memory_space<semaphore_mem>>) src(%arg6 : memref<1000x16xf32, #tpu.memory_space<vmem>>) dst(%dma_wait3A_18 : memref<10000x16xf32, #tpu.memory_space<vmem_shared>>)
      tpu.yield
    }) : () -> ()
    %run_scoped3A_4 = arith.constant 2 : i32
    "tpu.region"() ({
      %run_scoped3A_8 = tpu.sem_alloc : memref<!tpu.dma_semaphore, #tpu.memory_space<semaphore_mem>>
      %dma_start3A = arith.constant 0 : i32
      %dma_start3A_9 = tpu.memref_slice %arg5[%run_scoped3A_4, %dma_start3A] : memref<5x1000xi32, #tpu.memory_space<vmem>> -> memref<1x1000xi32, #tpu.memory_space<vmem>>
      %dma_start3A_10 = tpu.memref_squeeze %dma_start3A_9 : memref<1x1000xi32, #tpu.memory_space<vmem>> -> memref<1000xi32, #tpu.memory_space<vmem>>
      %dma_start3A_11 = arith.constant 0 : i32
      %dma_start3A_12 = arith.constant 0 : i32
      %dma_start3A_13 = tpu.memref_slice %arg8[%dma_start3A_11, %dma_start3A_12] : memref<10000x16xf32, #tpu.memory_space<vmem_shared>> -> memref<10000x16xf32, #tpu.memory_space<vmem_shared>>
      tpu.enqueue_indirect_dma source(%arg6 : memref<1000x16xf32, #tpu.memory_space<vmem>>) target(%dma_start3A_13 : memref<10000x16xf32, #tpu.memory_space<vmem_shared>>) offsets(%dma_start3A_10 : memref<1000xi32, #tpu.memory_space<vmem>>) semaphore(%run_scoped3A_8 : memref<!tpu.dma_semaphore, #tpu.memory_space<semaphore_mem>>) {add = true}
      %dma_wait3A = arith.constant 0 : i32
      %dma_wait3A_14 = tpu.memref_slice %arg5[%run_scoped3A_4, %dma_wait3A] : memref<5x1000xi32, #tpu.memory_space<vmem>> -> memref<1x1000xi32, #tpu.memory_space<vmem>>
      %dma_wait3A_15 = tpu.memref_squeeze %dma_wait3A_14 : memref<1x1000xi32, #tpu.memory_space<vmem>> -> memref<1000xi32, #tpu.memory_space<vmem>>
      %dma_wait3A_16 = arith.constant 0 : i32
      %dma_wait3A_17 = arith.constant 0 : i32
      %dma_wait3A_18 = tpu.memref_slice %arg8[%dma_wait3A_16, %dma_wait3A_17] : memref<10000x16xf32, #tpu.memory_space<vmem_shared>> -> memref<10000x16xf32, #tpu.memory_space<vmem_shared>>
      tpu.wait_indirect_dma semaphore(%run_scoped3A_8 : memref<!tpu.dma_semaphore, #tpu.memory_space<semaphore_mem>>) src(%arg6 : memref<1000x16xf32, #tpu.memory_space<vmem>>) dst(%dma_wait3A_18 : memref<10000x16xf32, #tpu.memory_space<vmem_shared>>)
      tpu.yield
    }) : () -> ()
    %run_scoped3A_5 = arith.constant 3 : i32
    "tpu.region"() ({
      %run_scoped3A_8 = tpu.sem_alloc : memref<!tpu.dma_semaphore, #tpu.memory_space<semaphore_mem>>
      %dma_start3A = arith.constant 0 : i32
      %dma_start3A_9 = tpu.memref_slice %arg5[%run_scoped3A_5, %dma_start3A] : memref<5x1000xi32, #tpu.memory_space<vmem>> -> memref<1x1000xi32, #tpu.memory_space<vmem>>
      %dma_start3A_10 = tpu.memref_squeeze %dma_start3A_9 : memref<1x1000xi32, #tpu.memory_space<vmem>> -> memref<1000xi32, #tpu.memory_space<vmem>>
      %dma_start3A_11 = arith.constant 0 : i32
      %dma_start3A_12 = arith.constant 0 : i32
      %dma_start3A_13 = tpu.memref_slice %arg8[%dma_start3A_11, %dma_start3A_12] : memref<10000x16xf32, #tpu.memory_space<vmem_shared>> -> memref<10000x16xf32, #tpu.memory_space<vmem_shared>>
      tpu.enqueue_indirect_dma source(%arg6 : memref<1000x16xf32, #tpu.memory_space<vmem>>) target(%dma_start3A_13 : memref<10000x16xf32, #tpu.memory_space<vmem_shared>>) offsets(%dma_start3A_10 : memref<1000xi32, #tpu.memory_space<vmem>>) semaphore(%run_scoped3A_8 : memref<!tpu.dma_semaphore, #tpu.memory_space<semaphore_mem>>) {add = true}
      %dma_wait3A = arith.constant 0 : i32
      %dma_wait3A_14 = tpu.memref_slice %arg5[%run_scoped3A_5, %dma_wait3A] : memref<5x1000xi32, #tpu.memory_space<vmem>> -> memref<1x1000xi32, #tpu.memory_space<vmem>>
      %dma_wait3A_15 = tpu.memref_squeeze %dma_wait3A_14 : memref<1x1000xi32, #tpu.memory_space<vmem>> -> memref<1000xi32, #tpu.memory_space<vmem>>
      %dma_wait3A_16 = arith.constant 0 : i32
      %dma_wait3A_17 = arith.constant 0 : i32
      %dma_wait3A_18 = tpu.memref_slice %arg8[%dma_wait3A_16, %dma_wait3A_17] : memref<10000x16xf32, #tpu.memory_space<vmem_shared>> -> memref<10000x16xf32, #tpu.memory_space<vmem_shared>>
      tpu.wait_indirect_dma semaphore(%run_scoped3A_8 : memref<!tpu.dma_semaphore, #tpu.memory_space<semaphore_mem>>) src(%arg6 : memref<1000x16xf32, #tpu.memory_space<vmem>>) dst(%dma_wait3A_18 : memref<10000x16xf32, #tpu.memory_space<vmem_shared>>)
      tpu.yield
    }) : () -> ()
    %run_scoped3A_6 = arith.constant 4 : i32
    "tpu.region"() ({
      %run_scoped3A_8 = tpu.sem_alloc : memref<!tpu.dma_semaphore, #tpu.memory_space<semaphore_mem>>
      %dma_start3A = arith.constant 0 : i32
      %dma_start3A_9 = tpu.memref_slice %arg5[%run_scoped3A_6, %dma_start3A] : memref<5x1000xi32, #tpu.memory_space<vmem>> -> memref<1x1000xi32, #tpu.memory_space<vmem>>
      %dma_start3A_10 = tpu.memref_squeeze %dma_start3A_9 : memref<1x1000xi32, #tpu.memory_space<vmem>> -> memref<1000xi32, #tpu.memory_space<vmem>>
      %dma_start3A_11 = arith.constant 0 : i32
      %dma_start3A_12 = arith.constant 0 : i32
      %dma_start3A_13 = tpu.memref_slice %arg8[%dma_start3A_11, %dma_start3A_12] : memref<10000x16xf32, #tpu.memory_space<vmem_shared>> -> memref<10000x16xf32, #tpu.memory_space<vmem_shared>>
      tpu.enqueue_indirect_dma source(%arg6 : memref<1000x16xf32, #tpu.memory_space<vmem>>) target(%dma_start3A_13 : memref<10000x16xf32, #tpu.memory_space<vmem_shared>>) offsets(%dma_start3A_10 : memref<1000xi32, #tpu.memory_space<vmem>>) semaphore(%run_scoped3A_8 : memref<!tpu.dma_semaphore, #tpu.memory_space<semaphore_mem>>) {add = true}
      %dma_wait3A = arith.constant 0 : i32
      %dma_wait3A_14 = tpu.memref_slice %arg5[%run_scoped3A_6, %dma_wait3A] : memref<5x1000xi32, #tpu.memory_space<vmem>> -> memref<1x1000xi32, #tpu.memory_space<vmem>>
      %dma_wait3A_15 = tpu.memref_squeeze %dma_wait3A_14 : memref<1x1000xi32, #tpu.memory_space<vmem>> -> memref<1000xi32, #tpu.memory_space<vmem>>
      %dma_wait3A_16 = arith.constant 0 : i32
      %dma_wait3A_17 = arith.constant 0 : i32
      %dma_wait3A_18 = tpu.memref_slice %arg8[%dma_wait3A_16, %dma_wait3A_17] : memref<10000x16xf32, #tpu.memory_space<vmem_shared>> -> memref<10000x16xf32, #tpu.memory_space<vmem_shared>>
      tpu.wait_indirect_dma semaphore(%run_scoped3A_8 : memref<!tpu.dma_semaphore, #tpu.memory_space<semaphore_mem>>) src(%arg6 : memref<1000x16xf32, #tpu.memory_space<vmem>>) dst(%dma_wait3A_18 : memref<10000x16xf32, #tpu.memory_space<vmem_shared>>)
      tpu.yield
    }) : () -> ()
    %barrier3A_7 = arith.constant 0 : index
    tpu.barrier barrier_id(%barrier3A_7)
    "tpu.region"() ({
      %run_scoped3A_8 = tpu.sem_alloc : memref<!tpu.dma_semaphore, #tpu.memory_space<semaphore_mem>>
      %dma_start3A = arith.constant 0 : i32
      %dma_start3A_9 = arith.constant 0 : i32
      %dma_start3A_10 = tpu.memref_slice %arg4[%arg0, %arg1, %dma_start3A, %dma_start3A_9] : memref<2x16x625x16xf32, #tpu.memory_space<hbm>> -> memref<1x1x625x16xf32, #tpu.memory_space<hbm>>
      %dma_start3A_11 = tpu.memref_squeeze %dma_start3A_10 : memref<1x1x625x16xf32, #tpu.memory_space<hbm>> -> memref<625x16xf32, #tpu.memory_space<hbm>>
      %dma_start3A_12 = arith.constant 0 : i32
      %dma_start3A_13 = tpu.memref_slice %arg8[%mul3A_0, %dma_start3A_12] : memref<10000x16xf32, #tpu.memory_space<vmem_shared>> -> memref<625x16xf32, #tpu.memory_space<vmem_shared>>
      tpu.enqueue_dma source(%dma_start3A_13 : memref<625x16xf32, #tpu.memory_space<vmem_shared>>) target(%dma_start3A_11 : memref<625x16xf32, #tpu.memory_space<hbm>>) target_semaphore(%run_scoped3A_8 : memref<!tpu.dma_semaphore, #tpu.memory_space<semaphore_mem>>)
      %dma_wait3A = arith.constant 0 : i32
      %dma_wait3A_14 = arith.constant 0 : i32
      %dma_wait3A_15 = tpu.memref_slice %arg4[%arg0, %arg1, %dma_wait3A, %dma_wait3A_14] : memref<2x16x625x16xf32, #tpu.memory_space<hbm>> -> memref<1x1x625x16xf32, #tpu.memory_space<hbm>>
      %dma_wait3A_16 = tpu.memref_squeeze %dma_wait3A_15 : memref<1x1x625x16xf32, #tpu.memory_space<hbm>> -> memref<625x16xf32, #tpu.memory_space<hbm>>
      %dma_wait3A_17 = arith.constant 0 : i32
      %dma_wait3A_18 = tpu.memref_slice %arg8[%mul3A_0, %dma_wait3A_17] : memref<10000x16xf32, #tpu.memory_space<vmem_shared>> -> memref<625x16xf32, #tpu.memory_space<vmem_shared>>
      tpu.wait_dma2 semaphore(%run_scoped3A_8 : memref<!tpu.dma_semaphore, #tpu.memory_space<semaphore_mem>>) src(%dma_wait3A_18 : memref<625x16xf32, #tpu.memory_space<vmem_shared>>) dst(%dma_wait3A_16 : memref<625x16xf32, #tpu.memory_space<hbm>>)
      tpu.yield
    }) : () -> ()
    return
  }
}

#map = affine_map<(d0, d1) -> (0, 0)>
#map1 = affine_map<(d0, d1) -> (0, 0, 0, 0)>
#map2 = affine_map<(d0, d1) -> (0, 0, 0)>
module attributes {stable_mosaic.version = 14 : i64} {
  func.func @_agg_kernel(%arg0: i32, %arg1: i32, %arg2: memref<40000x64xf32, #tpu.memory_space<hbm>>, %arg3: memref<2x16x100x100xi32, #tpu.memory_space<hbm>>, %arg4: memref<16x100x100xi32, #tpu.memory_space<hbm>>, %arg5: memref<100x128xf32, #tpu.memory_space<hbm>>, %arg6: memref<2x16x625x128xf32, #tpu.memory_space<hbm>>, %arg7: memref<100x100xi32, #tpu.memory_space<vmem>>, %arg8: memref<100x100xi32, #tpu.memory_space<vmem>>, %arg9: memref<100x64xf32, #tpu.memory_space<vmem>>, %arg10: memref<100x64xf32, #tpu.memory_space<vmem>>, %arg11: memref<10000x128xf32, #tpu.memory_space<vmem_shared>>, %arg12: memref<!tpu.dma_semaphore, #tpu.memory_space<semaphore_mem>>, %arg13: memref<!tpu.dma_semaphore, #tpu.memory_space<semaphore_mem>>, %arg14: memref<!tpu.dma_semaphore, #tpu.memory_space<semaphore_mem>>, %arg15: memref<!tpu.dma_semaphore, #tpu.memory_space<semaphore_mem>>) attributes {dimension_semantics = [#tpu.dimension_semantics<core_parallel>, #tpu.dimension_semantics<subcore_parallel>], iteration_bounds = array<i64: 2, 16>, scalar_prefetch = 0 : i64, scratch_operands = 9 : i64, tpu.core_type = #tpu.core_type<sc_vector_subcore>, window_params = [{transform_indices = #map}, {transform_indices = #map1}, {transform_indices = #map2}, {transform_indices = #map}, {transform_indices = #map1}]} {
    %mul3A = arith.constant 625 : i32
    %mul3A_0 = arith.muli %arg1, %mul3A : i32
    "tpu.region"() ({
      %run_scoped3A = tpu.sem_alloc : memref<!tpu.dma_semaphore, #tpu.memory_space<semaphore_mem>>
      %dma_start3A_12 = arith.constant 0 : i32
      %dma_start3A_13 = arith.constant 0 : i32
      %dma_start3A_14 = tpu.memref_slice %arg3[%arg0, %arg1, %dma_start3A_12, %dma_start3A_13] : memref<2x16x100x100xi32, #tpu.memory_space<hbm>> -> memref<1x1x100x100xi32, #tpu.memory_space<hbm>>
      %dma_start3A_15 = tpu.memref_squeeze %dma_start3A_14 : memref<1x1x100x100xi32, #tpu.memory_space<hbm>> -> memref<100x100xi32, #tpu.memory_space<hbm>>
      %dma_start3A_16 = arith.constant 0 : i32
      %dma_start3A_17 = arith.constant 0 : i32
      %dma_start3A_18 = tpu.memref_slice %arg3[%arg0, %arg1, %dma_start3A_16, %dma_start3A_17] : memref<2x16x100x100xi32, #tpu.memory_space<hbm>> -> memref<1x1x100x100xi32, #tpu.memory_space<hbm>>
      %dma_start3A_19 = tpu.memref_squeeze %dma_start3A_18 : memref<1x1x100x100xi32, #tpu.memory_space<hbm>> -> memref<100x100xi32, #tpu.memory_space<hbm>>
      tpu.enqueue_dma source(%dma_start3A_19 : memref<100x100xi32, #tpu.memory_space<hbm>>) target(%arg7 : memref<100x100xi32, #tpu.memory_space<vmem>>) target_semaphore(%run_scoped3A : memref<!tpu.dma_semaphore, #tpu.memory_space<semaphore_mem>>)
      %dma_wait3A = arith.constant 0 : i32
      %dma_wait3A_20 = arith.constant 0 : i32
      %dma_wait3A_21 = tpu.memref_slice %arg3[%arg0, %arg1, %dma_wait3A, %dma_wait3A_20] : memref<2x16x100x100xi32, #tpu.memory_space<hbm>> -> memref<1x1x100x100xi32, #tpu.memory_space<hbm>>
      %dma_wait3A_22 = tpu.memref_squeeze %dma_wait3A_21 : memref<1x1x100x100xi32, #tpu.memory_space<hbm>> -> memref<100x100xi32, #tpu.memory_space<hbm>>
      %dma_wait3A_23 = arith.constant 0 : i32
      %dma_wait3A_24 = arith.constant 0 : i32
      %dma_wait3A_25 = tpu.memref_slice %arg3[%arg0, %arg1, %dma_wait3A_23, %dma_wait3A_24] : memref<2x16x100x100xi32, #tpu.memory_space<hbm>> -> memref<1x1x100x100xi32, #tpu.memory_space<hbm>>
      %dma_wait3A_26 = tpu.memref_squeeze %dma_wait3A_25 : memref<1x1x100x100xi32, #tpu.memory_space<hbm>> -> memref<100x100xi32, #tpu.memory_space<hbm>>
      tpu.wait_dma2 semaphore(%run_scoped3A : memref<!tpu.dma_semaphore, #tpu.memory_space<semaphore_mem>>) src(%dma_wait3A_26 : memref<100x100xi32, #tpu.memory_space<hbm>>) dst(%arg7 : memref<100x100xi32, #tpu.memory_space<vmem>>)
      tpu.yield
    }) : () -> ()
    "tpu.region"() ({
      %run_scoped3A = tpu.sem_alloc : memref<!tpu.dma_semaphore, #tpu.memory_space<semaphore_mem>>
      %dma_start3A_12 = arith.constant 0 : i32
      %dma_start3A_13 = arith.constant 0 : i32
      %dma_start3A_14 = tpu.memref_slice %arg4[%arg1, %dma_start3A_12, %dma_start3A_13] : memref<16x100x100xi32, #tpu.memory_space<hbm>> -> memref<1x100x100xi32, #tpu.memory_space<hbm>>
      %dma_start3A_15 = tpu.memref_squeeze %dma_start3A_14 : memref<1x100x100xi32, #tpu.memory_space<hbm>> -> memref<100x100xi32, #tpu.memory_space<hbm>>
      %dma_start3A_16 = arith.constant 0 : i32
      %dma_start3A_17 = arith.constant 0 : i32
      %dma_start3A_18 = tpu.memref_slice %arg4[%arg1, %dma_start3A_16, %dma_start3A_17] : memref<16x100x100xi32, #tpu.memory_space<hbm>> -> memref<1x100x100xi32, #tpu.memory_space<hbm>>
      %dma_start3A_19 = tpu.memref_squeeze %dma_start3A_18 : memref<1x100x100xi32, #tpu.memory_space<hbm>> -> memref<100x100xi32, #tpu.memory_space<hbm>>
      tpu.enqueue_dma source(%dma_start3A_19 : memref<100x100xi32, #tpu.memory_space<hbm>>) target(%arg8 : memref<100x100xi32, #tpu.memory_space<vmem>>) target_semaphore(%run_scoped3A : memref<!tpu.dma_semaphore, #tpu.memory_space<semaphore_mem>>)
      %dma_wait3A = arith.constant 0 : i32
      %dma_wait3A_20 = arith.constant 0 : i32
      %dma_wait3A_21 = tpu.memref_slice %arg4[%arg1, %dma_wait3A, %dma_wait3A_20] : memref<16x100x100xi32, #tpu.memory_space<hbm>> -> memref<1x100x100xi32, #tpu.memory_space<hbm>>
      %dma_wait3A_22 = tpu.memref_squeeze %dma_wait3A_21 : memref<1x100x100xi32, #tpu.memory_space<hbm>> -> memref<100x100xi32, #tpu.memory_space<hbm>>
      %dma_wait3A_23 = arith.constant 0 : i32
      %dma_wait3A_24 = arith.constant 0 : i32
      %dma_wait3A_25 = tpu.memref_slice %arg4[%arg1, %dma_wait3A_23, %dma_wait3A_24] : memref<16x100x100xi32, #tpu.memory_space<hbm>> -> memref<1x100x100xi32, #tpu.memory_space<hbm>>
      %dma_wait3A_26 = tpu.memref_squeeze %dma_wait3A_25 : memref<1x100x100xi32, #tpu.memory_space<hbm>> -> memref<100x100xi32, #tpu.memory_space<hbm>>
      tpu.wait_dma2 semaphore(%run_scoped3A : memref<!tpu.dma_semaphore, #tpu.memory_space<semaphore_mem>>) src(%dma_wait3A_26 : memref<100x100xi32, #tpu.memory_space<hbm>>) dst(%arg8 : memref<100x100xi32, #tpu.memory_space<vmem>>)
      tpu.yield
    }) : () -> ()
    %barrier3A = arith.constant 0 : index
    tpu.barrier barrier_id(%barrier3A)
    %dma_start3A = arith.constant 0 : i32
    %dma_start3A_1 = arith.constant 0 : i32
    %dma_start3A_2 = tpu.memref_slice %arg7[%dma_start3A, %dma_start3A_1] : memref<100x100xi32, #tpu.memory_space<vmem>> -> memref<1x100xi32, #tpu.memory_space<vmem>>
    %dma_start3A_3 = tpu.memref_squeeze %dma_start3A_2 : memref<1x100xi32, #tpu.memory_space<vmem>> -> memref<100xi32, #tpu.memory_space<vmem>>
    %dma_start3A_4 = arith.constant 0 : i32
    %dma_start3A_5 = arith.constant 0 : i32
    %dma_start3A_6 = tpu.memref_slice %arg2[%dma_start3A_4, %dma_start3A_5] : memref<40000x64xf32, #tpu.memory_space<hbm>> -> memref<40000x64xf32, #tpu.memory_space<hbm>>
    tpu.enqueue_indirect_dma source(%dma_start3A_6 : memref<40000x64xf32, #tpu.memory_space<hbm>>) target(%arg9 : memref<100x64xf32, #tpu.memory_space<vmem>>) offsets(%dma_start3A_3 : memref<100xi32, #tpu.memory_space<vmem>>) semaphore(%arg12 : memref<!tpu.dma_semaphore, #tpu.memory_space<semaphore_mem>>)
    %scan3A = arith.constant 0 : i32
    %scan3A_7 = arith.constant 50 : i32
    %scan3A_8 = arith.addi %scan3A, %scan3A_7 : i32
    %scan3A_9 = arith.constant 1 : i32
    scf.for %scan3A_12 = %scan3A to %scan3A_8 step %scan3A_9  : i32 {
      %mul3A_13 = arith.constant 2 : i32
      %mul3A_14 = arith.muli %mul3A_13, %scan3A_12 : i32
      %add3A = arith.constant 1 : i32
      %add3A_15 = arith.addi %mul3A_14, %add3A : i32
      %dma_wait3A = arith.constant 0 : i32
      %dma_wait3A_16 = tpu.memref_slice %arg7[%mul3A_14, %dma_wait3A] : memref<100x100xi32, #tpu.memory_space<vmem>> -> memref<1x100xi32, #tpu.memory_space<vmem>>
      %dma_wait3A_17 = tpu.memref_squeeze %dma_wait3A_16 : memref<1x100xi32, #tpu.memory_space<vmem>> -> memref<100xi32, #tpu.memory_space<vmem>>
      %dma_wait3A_18 = arith.constant 0 : i32
      %dma_wait3A_19 = arith.constant 0 : i32
      %dma_wait3A_20 = tpu.memref_slice %arg2[%dma_wait3A_18, %dma_wait3A_19] : memref<40000x64xf32, #tpu.memory_space<hbm>> -> memref<40000x64xf32, #tpu.memory_space<hbm>>
      tpu.wait_indirect_dma semaphore(%arg12 : memref<!tpu.dma_semaphore, #tpu.memory_space<semaphore_mem>>) src(%dma_wait3A_20 : memref<40000x64xf32, #tpu.memory_space<hbm>>) dst(%arg9 : memref<100x64xf32, #tpu.memory_space<vmem>>)
      %dma_start3A_21 = arith.constant 0 : i32
      %dma_start3A_22 = tpu.memref_slice %arg7[%add3A_15, %dma_start3A_21] : memref<100x100xi32, #tpu.memory_space<vmem>> -> memref<1x100xi32, #tpu.memory_space<vmem>>
      %dma_start3A_23 = tpu.memref_squeeze %dma_start3A_22 : memref<1x100xi32, #tpu.memory_space<vmem>> -> memref<100xi32, #tpu.memory_space<vmem>>
      %dma_start3A_24 = arith.constant 0 : i32
      %dma_start3A_25 = arith.constant 0 : i32
      %dma_start3A_26 = tpu.memref_slice %arg2[%dma_start3A_24, %dma_start3A_25] : memref<40000x64xf32, #tpu.memory_space<hbm>> -> memref<40000x64xf32, #tpu.memory_space<hbm>>
      tpu.enqueue_indirect_dma source(%dma_start3A_26 : memref<40000x64xf32, #tpu.memory_space<hbm>>) target(%arg10 : memref<100x64xf32, #tpu.memory_space<vmem>>) offsets(%dma_start3A_23 : memref<100xi32, #tpu.memory_space<vmem>>) semaphore(%arg13 : memref<!tpu.dma_semaphore, #tpu.memory_space<semaphore_mem>>)
      %dma_wait3A_27 = arith.constant 0 : i32
      %dma_wait3A_28 = tpu.memref_slice %arg7[%add3A_15, %dma_wait3A_27] : memref<100x100xi32, #tpu.memory_space<vmem>> -> memref<1x100xi32, #tpu.memory_space<vmem>>
      %dma_wait3A_29 = tpu.memref_squeeze %dma_wait3A_28 : memref<1x100xi32, #tpu.memory_space<vmem>> -> memref<100xi32, #tpu.memory_space<vmem>>
      %dma_wait3A_30 = arith.constant 0 : i32
      %dma_wait3A_31 = arith.constant 0 : i32
      %dma_wait3A_32 = tpu.memref_slice %arg2[%dma_wait3A_30, %dma_wait3A_31] : memref<40000x64xf32, #tpu.memory_space<hbm>> -> memref<40000x64xf32, #tpu.memory_space<hbm>>
      tpu.wait_indirect_dma semaphore(%arg13 : memref<!tpu.dma_semaphore, #tpu.memory_space<semaphore_mem>>) src(%dma_wait3A_32 : memref<40000x64xf32, #tpu.memory_space<hbm>>) dst(%arg10 : memref<100x64xf32, #tpu.memory_space<vmem>>)
      %lt3A = arith.constant 49 : i32
      %lt3A_33 = arith.cmpi slt, %scan3A_12, %lt3A : i32
      %convert_element_type3A = arith.extui %lt3A_33 : i1 to i32
      %cond3A = arith.constant 0 : i32
      %cond3A_34 = arith.cmpi ne, %convert_element_type3A, %cond3A : i32
      scf.if %cond3A_34 {
        %add3A_35 = arith.constant 2 : i32
        %add3A_36 = arith.addi %mul3A_14, %add3A_35 : i32
        %dma_start3A_37 = arith.constant 0 : i32
        %dma_start3A_38 = tpu.memref_slice %arg7[%add3A_36, %dma_start3A_37] : memref<100x100xi32, #tpu.memory_space<vmem>> -> memref<1x100xi32, #tpu.memory_space<vmem>>
        %dma_start3A_39 = tpu.memref_squeeze %dma_start3A_38 : memref<1x100xi32, #tpu.memory_space<vmem>> -> memref<100xi32, #tpu.memory_space<vmem>>
        %dma_start3A_40 = arith.constant 0 : i32
        %dma_start3A_41 = arith.constant 0 : i32
        %dma_start3A_42 = tpu.memref_slice %arg2[%dma_start3A_40, %dma_start3A_41] : memref<40000x64xf32, #tpu.memory_space<hbm>> -> memref<40000x64xf32, #tpu.memory_space<hbm>>
        tpu.enqueue_indirect_dma source(%dma_start3A_42 : memref<40000x64xf32, #tpu.memory_space<hbm>>) target(%arg9 : memref<100x64xf32, #tpu.memory_space<vmem>>) offsets(%dma_start3A_39 : memref<100xi32, #tpu.memory_space<vmem>>) semaphore(%arg12 : memref<!tpu.dma_semaphore, #tpu.memory_space<semaphore_mem>>)
      } else {
      }
    }
    %scan3A_10 = arith.constant 50 : i32
    %barrier3A_11 = arith.constant 0 : index
    tpu.barrier barrier_id(%barrier3A_11)
    "tpu.region"() ({
      %run_scoped3A = tpu.sem_alloc : memref<!tpu.dma_semaphore, #tpu.memory_space<semaphore_mem>>
      %dma_start3A_12 = arith.constant 0 : i32
      %dma_start3A_13 = arith.constant 0 : i32
      %dma_start3A_14 = tpu.memref_slice %arg6[%arg0, %arg1, %dma_start3A_12, %dma_start3A_13] : memref<2x16x625x128xf32, #tpu.memory_space<hbm>> -> memref<1x1x625x128xf32, #tpu.memory_space<hbm>>
      %dma_start3A_15 = tpu.memref_squeeze %dma_start3A_14 : memref<1x1x625x128xf32, #tpu.memory_space<hbm>> -> memref<625x128xf32, #tpu.memory_space<hbm>>
      %dma_start3A_16 = arith.constant 0 : i32
      %dma_start3A_17 = tpu.memref_slice %arg11[%mul3A_0, %dma_start3A_16] : memref<10000x128xf32, #tpu.memory_space<vmem_shared>> -> memref<625x128xf32, #tpu.memory_space<vmem_shared>>
      tpu.enqueue_dma source(%dma_start3A_17 : memref<625x128xf32, #tpu.memory_space<vmem_shared>>) target(%dma_start3A_15 : memref<625x128xf32, #tpu.memory_space<hbm>>) target_semaphore(%run_scoped3A : memref<!tpu.dma_semaphore, #tpu.memory_space<semaphore_mem>>)
      %dma_wait3A = arith.constant 0 : i32
      %dma_wait3A_18 = arith.constant 0 : i32
      %dma_wait3A_19 = tpu.memref_slice %arg6[%arg0, %arg1, %dma_wait3A, %dma_wait3A_18] : memref<2x16x625x128xf32, #tpu.memory_space<hbm>> -> memref<1x1x625x128xf32, #tpu.memory_space<hbm>>
      %dma_wait3A_20 = tpu.memref_squeeze %dma_wait3A_19 : memref<1x1x625x128xf32, #tpu.memory_space<hbm>> -> memref<625x128xf32, #tpu.memory_space<hbm>>
      %dma_wait3A_21 = arith.constant 0 : i32
      %dma_wait3A_22 = tpu.memref_slice %arg11[%mul3A_0, %dma_wait3A_21] : memref<10000x128xf32, #tpu.memory_space<vmem_shared>> -> memref<625x128xf32, #tpu.memory_space<vmem_shared>>
      tpu.wait_dma2 semaphore(%run_scoped3A : memref<!tpu.dma_semaphore, #tpu.memory_space<semaphore_mem>>) src(%dma_wait3A_22 : memref<625x128xf32, #tpu.memory_space<vmem_shared>>) dst(%dma_wait3A_20 : memref<625x128xf32, #tpu.memory_space<hbm>>)
      tpu.yield
    }) : () -> ()
    return
  }
}

#map = affine_map<(d0, d1) -> (0, 0)>
#map1 = affine_map<(d0, d1) -> (0, 0, 0, 0)>
#map2 = affine_map<(d0, d1) -> (0, 0, 0)>
module attributes {stable_mosaic.version = 14 : i64} {
  func.func @_agg_kernel(%arg0: i32, %arg1: i32, %arg2: memref<40000x64xf32, #tpu.memory_space<hbm>>, %arg3: memref<2x16x100x100xi32, #tpu.memory_space<hbm>>, %arg4: memref<16x100x100xi32, #tpu.memory_space<hbm>>, %arg5: memref<100x128xf32, #tpu.memory_space<hbm>>, %arg6: memref<2x16x625x128xf32, #tpu.memory_space<hbm>>, %arg7: memref<100x100xi32, #tpu.memory_space<vmem>>, %arg8: memref<100x100xi32, #tpu.memory_space<vmem>>, %arg9: memref<100x64xf32, #tpu.memory_space<vmem>>, %arg10: memref<100x64xf32, #tpu.memory_space<vmem>>, %arg11: memref<10000x128xf32, #tpu.memory_space<vmem_shared>>, %arg12: memref<!tpu.dma_semaphore, #tpu.memory_space<semaphore_mem>>, %arg13: memref<!tpu.dma_semaphore, #tpu.memory_space<semaphore_mem>>, %arg14: memref<!tpu.dma_semaphore, #tpu.memory_space<semaphore_mem>>, %arg15: memref<!tpu.dma_semaphore, #tpu.memory_space<semaphore_mem>>) attributes {dimension_semantics = [#tpu.dimension_semantics<core_parallel>, #tpu.dimension_semantics<subcore_parallel>], iteration_bounds = array<i64: 2, 16>, scalar_prefetch = 0 : i64, scratch_operands = 9 : i64, tpu.core_type = #tpu.core_type<sc_vector_subcore>, window_params = [{transform_indices = #map}, {transform_indices = #map1}, {transform_indices = #map2}, {transform_indices = #map}, {transform_indices = #map1}]} {
    %mul3A = arith.constant 625 : i32
    %mul3A_0 = arith.muli %arg1, %mul3A : i32
    "tpu.region"() ({
      %run_scoped3A = tpu.sem_alloc : memref<!tpu.dma_semaphore, #tpu.memory_space<semaphore_mem>>
      %dma_start3A_12 = arith.constant 0 : i32
      %dma_start3A_13 = arith.constant 0 : i32
      %dma_start3A_14 = tpu.memref_slice %arg3[%arg0, %arg1, %dma_start3A_12, %dma_start3A_13] : memref<2x16x100x100xi32, #tpu.memory_space<hbm>> -> memref<1x1x100x100xi32, #tpu.memory_space<hbm>>
      %dma_start3A_15 = tpu.memref_squeeze %dma_start3A_14 : memref<1x1x100x100xi32, #tpu.memory_space<hbm>> -> memref<100x100xi32, #tpu.memory_space<hbm>>
      %dma_start3A_16 = arith.constant 0 : i32
      %dma_start3A_17 = arith.constant 0 : i32
      %dma_start3A_18 = tpu.memref_slice %arg3[%arg0, %arg1, %dma_start3A_16, %dma_start3A_17] : memref<2x16x100x100xi32, #tpu.memory_space<hbm>> -> memref<1x1x100x100xi32, #tpu.memory_space<hbm>>
      %dma_start3A_19 = tpu.memref_squeeze %dma_start3A_18 : memref<1x1x100x100xi32, #tpu.memory_space<hbm>> -> memref<100x100xi32, #tpu.memory_space<hbm>>
      tpu.enqueue_dma source(%dma_start3A_19 : memref<100x100xi32, #tpu.memory_space<hbm>>) target(%arg7 : memref<100x100xi32, #tpu.memory_space<vmem>>) target_semaphore(%run_scoped3A : memref<!tpu.dma_semaphore, #tpu.memory_space<semaphore_mem>>)
      %dma_wait3A = arith.constant 0 : i32
      %dma_wait3A_20 = arith.constant 0 : i32
      %dma_wait3A_21 = tpu.memref_slice %arg3[%arg0, %arg1, %dma_wait3A, %dma_wait3A_20] : memref<2x16x100x100xi32, #tpu.memory_space<hbm>> -> memref<1x1x100x100xi32, #tpu.memory_space<hbm>>
      %dma_wait3A_22 = tpu.memref_squeeze %dma_wait3A_21 : memref<1x1x100x100xi32, #tpu.memory_space<hbm>> -> memref<100x100xi32, #tpu.memory_space<hbm>>
      %dma_wait3A_23 = arith.constant 0 : i32
      %dma_wait3A_24 = arith.constant 0 : i32
      %dma_wait3A_25 = tpu.memref_slice %arg3[%arg0, %arg1, %dma_wait3A_23, %dma_wait3A_24] : memref<2x16x100x100xi32, #tpu.memory_space<hbm>> -> memref<1x1x100x100xi32, #tpu.memory_space<hbm>>
      %dma_wait3A_26 = tpu.memref_squeeze %dma_wait3A_25 : memref<1x1x100x100xi32, #tpu.memory_space<hbm>> -> memref<100x100xi32, #tpu.memory_space<hbm>>
      tpu.wait_dma2 semaphore(%run_scoped3A : memref<!tpu.dma_semaphore, #tpu.memory_space<semaphore_mem>>) src(%dma_wait3A_26 : memref<100x100xi32, #tpu.memory_space<hbm>>) dst(%arg7 : memref<100x100xi32, #tpu.memory_space<vmem>>)
      tpu.yield
    }) : () -> ()
    "tpu.region"() ({
      %run_scoped3A = tpu.sem_alloc : memref<!tpu.dma_semaphore, #tpu.memory_space<semaphore_mem>>
      %dma_start3A_12 = arith.constant 0 : i32
      %dma_start3A_13 = arith.constant 0 : i32
      %dma_start3A_14 = tpu.memref_slice %arg4[%arg1, %dma_start3A_12, %dma_start3A_13] : memref<16x100x100xi32, #tpu.memory_space<hbm>> -> memref<1x100x100xi32, #tpu.memory_space<hbm>>
      %dma_start3A_15 = tpu.memref_squeeze %dma_start3A_14 : memref<1x100x100xi32, #tpu.memory_space<hbm>> -> memref<100x100xi32, #tpu.memory_space<hbm>>
      %dma_start3A_16 = arith.constant 0 : i32
      %dma_start3A_17 = arith.constant 0 : i32
      %dma_start3A_18 = tpu.memref_slice %arg4[%arg1, %dma_start3A_16, %dma_start3A_17] : memref<16x100x100xi32, #tpu.memory_space<hbm>> -> memref<1x100x100xi32, #tpu.memory_space<hbm>>
      %dma_start3A_19 = tpu.memref_squeeze %dma_start3A_18 : memref<1x100x100xi32, #tpu.memory_space<hbm>> -> memref<100x100xi32, #tpu.memory_space<hbm>>
      tpu.enqueue_dma source(%dma_start3A_19 : memref<100x100xi32, #tpu.memory_space<hbm>>) target(%arg8 : memref<100x100xi32, #tpu.memory_space<vmem>>) target_semaphore(%run_scoped3A : memref<!tpu.dma_semaphore, #tpu.memory_space<semaphore_mem>>)
      %dma_wait3A = arith.constant 0 : i32
      %dma_wait3A_20 = arith.constant 0 : i32
      %dma_wait3A_21 = tpu.memref_slice %arg4[%arg1, %dma_wait3A, %dma_wait3A_20] : memref<16x100x100xi32, #tpu.memory_space<hbm>> -> memref<1x100x100xi32, #tpu.memory_space<hbm>>
      %dma_wait3A_22 = tpu.memref_squeeze %dma_wait3A_21 : memref<1x100x100xi32, #tpu.memory_space<hbm>> -> memref<100x100xi32, #tpu.memory_space<hbm>>
      %dma_wait3A_23 = arith.constant 0 : i32
      %dma_wait3A_24 = arith.constant 0 : i32
      %dma_wait3A_25 = tpu.memref_slice %arg4[%arg1, %dma_wait3A_23, %dma_wait3A_24] : memref<16x100x100xi32, #tpu.memory_space<hbm>> -> memref<1x100x100xi32, #tpu.memory_space<hbm>>
      %dma_wait3A_26 = tpu.memref_squeeze %dma_wait3A_25 : memref<1x100x100xi32, #tpu.memory_space<hbm>> -> memref<100x100xi32, #tpu.memory_space<hbm>>
      tpu.wait_dma2 semaphore(%run_scoped3A : memref<!tpu.dma_semaphore, #tpu.memory_space<semaphore_mem>>) src(%dma_wait3A_26 : memref<100x100xi32, #tpu.memory_space<hbm>>) dst(%arg8 : memref<100x100xi32, #tpu.memory_space<vmem>>)
      tpu.yield
    }) : () -> ()
    %barrier3A = arith.constant 0 : index
    tpu.barrier barrier_id(%barrier3A)
    %dma_start3A = arith.constant 0 : i32
    %dma_start3A_1 = arith.constant 0 : i32
    %dma_start3A_2 = tpu.memref_slice %arg7[%dma_start3A, %dma_start3A_1] : memref<100x100xi32, #tpu.memory_space<vmem>> -> memref<1x100xi32, #tpu.memory_space<vmem>>
    %dma_start3A_3 = tpu.memref_squeeze %dma_start3A_2 : memref<1x100xi32, #tpu.memory_space<vmem>> -> memref<100xi32, #tpu.memory_space<vmem>>
    %dma_start3A_4 = arith.constant 0 : i32
    %dma_start3A_5 = arith.constant 0 : i32
    %dma_start3A_6 = tpu.memref_slice %arg2[%dma_start3A_4, %dma_start3A_5] : memref<40000x64xf32, #tpu.memory_space<hbm>> -> memref<40000x64xf32, #tpu.memory_space<hbm>>
    tpu.enqueue_indirect_dma source(%dma_start3A_6 : memref<40000x64xf32, #tpu.memory_space<hbm>>) target(%arg9 : memref<100x64xf32, #tpu.memory_space<vmem>>) offsets(%dma_start3A_3 : memref<100xi32, #tpu.memory_space<vmem>>) semaphore(%arg12 : memref<!tpu.dma_semaphore, #tpu.memory_space<semaphore_mem>>)
    %scan3A = arith.constant 0 : i32
    %scan3A_7 = arith.constant 50 : i32
    %scan3A_8 = arith.addi %scan3A, %scan3A_7 : i32
    %scan3A_9 = arith.constant 1 : i32
    scf.for %scan3A_12 = %scan3A to %scan3A_8 step %scan3A_9  : i32 {
      %mul3A_13 = arith.constant 2 : i32
      %mul3A_14 = arith.muli %mul3A_13, %scan3A_12 : i32
      %add3A = arith.constant 1 : i32
      %add3A_15 = arith.addi %mul3A_14, %add3A : i32
      %dma_wait3A = arith.constant 0 : i32
      %dma_wait3A_16 = tpu.memref_slice %arg7[%mul3A_14, %dma_wait3A] : memref<100x100xi32, #tpu.memory_space<vmem>> -> memref<1x100xi32, #tpu.memory_space<vmem>>
      %dma_wait3A_17 = tpu.memref_squeeze %dma_wait3A_16 : memref<1x100xi32, #tpu.memory_space<vmem>> -> memref<100xi32, #tpu.memory_space<vmem>>
      %dma_wait3A_18 = arith.constant 0 : i32
      %dma_wait3A_19 = arith.constant 0 : i32
      %dma_wait3A_20 = tpu.memref_slice %arg2[%dma_wait3A_18, %dma_wait3A_19] : memref<40000x64xf32, #tpu.memory_space<hbm>> -> memref<40000x64xf32, #tpu.memory_space<hbm>>
      tpu.wait_indirect_dma semaphore(%arg12 : memref<!tpu.dma_semaphore, #tpu.memory_space<semaphore_mem>>) src(%dma_wait3A_20 : memref<40000x64xf32, #tpu.memory_space<hbm>>) dst(%arg9 : memref<100x64xf32, #tpu.memory_space<vmem>>)
      %dma_start3A_21 = arith.constant 0 : i32
      %dma_start3A_22 = tpu.memref_slice %arg7[%add3A_15, %dma_start3A_21] : memref<100x100xi32, #tpu.memory_space<vmem>> -> memref<1x100xi32, #tpu.memory_space<vmem>>
      %dma_start3A_23 = tpu.memref_squeeze %dma_start3A_22 : memref<1x100xi32, #tpu.memory_space<vmem>> -> memref<100xi32, #tpu.memory_space<vmem>>
      %dma_start3A_24 = arith.constant 0 : i32
      %dma_start3A_25 = arith.constant 0 : i32
      %dma_start3A_26 = tpu.memref_slice %arg2[%dma_start3A_24, %dma_start3A_25] : memref<40000x64xf32, #tpu.memory_space<hbm>> -> memref<40000x64xf32, #tpu.memory_space<hbm>>
      tpu.enqueue_indirect_dma source(%dma_start3A_26 : memref<40000x64xf32, #tpu.memory_space<hbm>>) target(%arg10 : memref<100x64xf32, #tpu.memory_space<vmem>>) offsets(%dma_start3A_23 : memref<100xi32, #tpu.memory_space<vmem>>) semaphore(%arg13 : memref<!tpu.dma_semaphore, #tpu.memory_space<semaphore_mem>>)
      %dma_wait3A_27 = arith.constant 0 : i32
      %dma_wait3A_28 = tpu.memref_slice %arg7[%add3A_15, %dma_wait3A_27] : memref<100x100xi32, #tpu.memory_space<vmem>> -> memref<1x100xi32, #tpu.memory_space<vmem>>
      %dma_wait3A_29 = tpu.memref_squeeze %dma_wait3A_28 : memref<1x100xi32, #tpu.memory_space<vmem>> -> memref<100xi32, #tpu.memory_space<vmem>>
      %dma_wait3A_30 = arith.constant 0 : i32
      %dma_wait3A_31 = arith.constant 0 : i32
      %dma_wait3A_32 = tpu.memref_slice %arg2[%dma_wait3A_30, %dma_wait3A_31] : memref<40000x64xf32, #tpu.memory_space<hbm>> -> memref<40000x64xf32, #tpu.memory_space<hbm>>
      tpu.wait_indirect_dma semaphore(%arg13 : memref<!tpu.dma_semaphore, #tpu.memory_space<semaphore_mem>>) src(%dma_wait3A_32 : memref<40000x64xf32, #tpu.memory_space<hbm>>) dst(%arg10 : memref<100x64xf32, #tpu.memory_space<vmem>>)
      %lt3A = arith.constant 49 : i32
      %lt3A_33 = arith.cmpi slt, %scan3A_12, %lt3A : i32
      %convert_element_type3A = arith.extui %lt3A_33 : i1 to i32
      %cond3A = arith.constant 0 : i32
      %cond3A_34 = arith.cmpi ne, %convert_element_type3A, %cond3A : i32
      scf.if %cond3A_34 {
        %add3A_35 = arith.constant 2 : i32
        %add3A_36 = arith.addi %mul3A_14, %add3A_35 : i32
        %dma_start3A_37 = arith.constant 0 : i32
        %dma_start3A_38 = tpu.memref_slice %arg7[%add3A_36, %dma_start3A_37] : memref<100x100xi32, #tpu.memory_space<vmem>> -> memref<1x100xi32, #tpu.memory_space<vmem>>
        %dma_start3A_39 = tpu.memref_squeeze %dma_start3A_38 : memref<1x100xi32, #tpu.memory_space<vmem>> -> memref<100xi32, #tpu.memory_space<vmem>>
        %dma_start3A_40 = arith.constant 0 : i32
        %dma_start3A_41 = arith.constant 0 : i32
        %dma_start3A_42 = tpu.memref_slice %arg2[%dma_start3A_40, %dma_start3A_41] : memref<40000x64xf32, #tpu.memory_space<hbm>> -> memref<40000x64xf32, #tpu.memory_space<hbm>>
        tpu.enqueue_indirect_dma source(%dma_start3A_42 : memref<40000x64xf32, #tpu.memory_space<hbm>>) target(%arg9 : memref<100x64xf32, #tpu.memory_space<vmem>>) offsets(%dma_start3A_39 : memref<100xi32, #tpu.memory_space<vmem>>) semaphore(%arg12 : memref<!tpu.dma_semaphore, #tpu.memory_space<semaphore_mem>>)
      } else {
      }
    }
    %scan3A_10 = arith.constant 50 : i32
    %barrier3A_11 = arith.constant 0 : index
    tpu.barrier barrier_id(%barrier3A_11)
    "tpu.region"() ({
      %run_scoped3A = tpu.sem_alloc : memref<!tpu.dma_semaphore, #tpu.memory_space<semaphore_mem>>
      %dma_start3A_12 = arith.constant 0 : i32
      %dma_start3A_13 = arith.constant 0 : i32
      %dma_start3A_14 = tpu.memref_slice %arg6[%arg0, %arg1, %dma_start3A_12, %dma_start3A_13] : memref<2x16x625x128xf32, #tpu.memory_space<hbm>> -> memref<1x1x625x128xf32, #tpu.memory_space<hbm>>
      %dma_start3A_15 = tpu.memref_squeeze %dma_start3A_14 : memref<1x1x625x128xf32, #tpu.memory_space<hbm>> -> memref<625x128xf32, #tpu.memory_space<hbm>>
      %dma_start3A_16 = arith.constant 0 : i32
      %dma_start3A_17 = tpu.memref_slice %arg11[%mul3A_0, %dma_start3A_16] : memref<10000x128xf32, #tpu.memory_space<vmem_shared>> -> memref<625x128xf32, #tpu.memory_space<vmem_shared>>
      tpu.enqueue_dma source(%dma_start3A_17 : memref<625x128xf32, #tpu.memory_space<vmem_shared>>) target(%dma_start3A_15 : memref<625x128xf32, #tpu.memory_space<hbm>>) target_semaphore(%run_scoped3A : memref<!tpu.dma_semaphore, #tpu.memory_space<semaphore_mem>>)
      %dma_wait3A = arith.constant 0 : i32
      %dma_wait3A_18 = arith.constant 0 : i32
      %dma_wait3A_19 = tpu.memref_slice %arg6[%arg0, %arg1, %dma_wait3A, %dma_wait3A_18] : memref<2x16x625x128xf32, #tpu.memory_space<hbm>> -> memref<1x1x625x128xf32, #tpu.memory_space<hbm>>
      %dma_wait3A_20 = tpu.memref_squeeze %dma_wait3A_19 : memref<1x1x625x128xf32, #tpu.memory_space<hbm>> -> memref<625x128xf32, #tpu.memory_space<hbm>>
      %dma_wait3A_21 = arith.constant 0 : i32
      %dma_wait3A_22 = tpu.memref_slice %arg11[%mul3A_0, %dma_wait3A_21] : memref<10000x128xf32, #tpu.memory_space<vmem_shared>> -> memref<625x128xf32, #tpu.memory_space<vmem_shared>>
      tpu.wait_dma2 semaphore(%run_scoped3A : memref<!tpu.dma_semaphore, #tpu.memory_space<semaphore_mem>>) src(%dma_wait3A_22 : memref<625x128xf32, #tpu.memory_space<vmem_shared>>) dst(%dma_wait3A_20 : memref<625x128xf32, #tpu.memory_space<hbm>>)
      tpu.yield
    }) : () -> ()
    return
  }
}

module attributes {stable_mosaic.version = 14 : i64} {
  func.func @_mm1_body(%arg0: i32, %arg1: memref<1000x256xf32, #tpu.memory_space<vmem>>, %arg2: memref<256x256xf32, #tpu.memory_space<vmem>>, %arg3: memref<2x1000x16xf32, #tpu.memory_space<vmem>>, %arg4: memref<2x1000x128xf32, #tpu.memory_space<vmem>>) attributes {dimension_semantics = [#tpu.dimension_semantics<arbitrary>], iteration_bounds = array<i64: 10>, scalar_prefetch = 0 : i64, scratch_operands = 0 : i64, tpu.core_type = #tpu.core_type<tc>, window_params = [{transform_indices = @transform_0, window_bounds = array<i64: 1000, 256>}, {pipeline_mode = #tpu.pipeline_mode<synchronous>, transform_indices = @transform_1, window_bounds = array<i64: 256, 256>}, {transform_indices = @transform_2, window_bounds = array<i64: 2, 1000, 16>}, {transform_indices = @transform_3, window_bounds = array<i64: 2, 1000, 128>}]} {
    %get3A = arith.constant 0 : index
    %get3A_0 = arith.constant 0 : index
    %get3A_1 = arith.constant 0 : index
    %get3A_2 = vector.load %arg3[%get3A, %get3A_0, %get3A_1] : memref<2x1000x16xf32, #tpu.memory_space<vmem>>, vector<1x1000x1xf32>
    %get3A_3 = vector.shape_cast %get3A_2 : vector<1x1000x1xf32> to vector<1000x1xf32>
    %get3A_4 = arith.constant 1 : index
    %get3A_5 = arith.constant 0 : index
    %get3A_6 = arith.constant 0 : index
    %get3A_7 = vector.load %arg3[%get3A_4, %get3A_5, %get3A_6] : memref<2x1000x16xf32, #tpu.memory_space<vmem>>, vector<1x1000x1xf32>
    %get3A_8 = vector.shape_cast %get3A_7 : vector<1x1000x1xf32> to vector<1000x1xf32>
    %add3A = arith.addf %get3A_3, %get3A_8 : vector<1000x1xf32>
    %add3A_9 = arith.constant 1.000000e+00 : f32
    %add3A_10 = vector.broadcast %add3A_9 : f32 to vector<1000x1xf32>
    %add3A_11 = arith.addf %add3A, %add3A_10 : vector<1000x1xf32>
    %rsqrt3A = math.rsqrt %add3A_11 : vector<1000x1xf32>
    %get3A_12 = arith.constant 0 : index
    %get3A_13 = arith.constant 0 : index
    %get3A_14 = vector.load %arg1[%get3A_12, %get3A_13] : memref<1000x256xf32, #tpu.memory_space<vmem>>, vector<1000x256xf32>
    %get3A_15 = arith.constant 0 : index
    %get3A_16 = arith.constant 0 : index
    %get3A_17 = vector.load %arg2[%get3A_15, %get3A_16] : memref<256x256xf32, #tpu.memory_space<vmem>>, vector<256x256xf32>
    %dot_general3A = arith.constant dense<0.000000e+00> : vector<1000x256xf32>
    %dot_general3A_18 = tpu.matmul %get3A_14, %get3A_17, %dot_general3A {dimension_numbers = #tpu.dot_dimension_numbers<[1], [0], [0], [1], [0, 0, 1, 1], [], []>, transpose_lhs_hint = false} : vector<1000x256xf32>, vector<256x256xf32>, vector<1000x256xf32> -> vector<1000x256xf32>
    %mul3A = vector.broadcast %rsqrt3A : vector<1000x1xf32> to vector<1000x256xf32>
    %mul3A_19 = arith.mulf %dot_general3A_18, %mul3A : vector<1000x256xf32>
    %slice3A = vector.extract_strided_slice %mul3A_19 {offsets = [0, 0], sizes = [1000, 128], strides = [1, 1]} : vector<1000x256xf32> to vector<1000x128xf32>
    %swap3A = arith.constant 0 : index
    %swap3A_20 = arith.constant 0 : index
    %swap3A_21 = arith.constant 0 : index
    %swap3A_22 = vector.load %arg4[%swap3A, %swap3A_20, %swap3A_21] : memref<2x1000x128xf32, #tpu.memory_space<vmem>>, vector<1x1000x128xf32>
    %swap3A_23 = vector.shape_cast %swap3A_22 : vector<1x1000x128xf32> to vector<1000x128xf32>
    %swap3A_24 = vector.shape_cast %slice3A : vector<1000x128xf32> to vector<1x1000x128xf32>
    tpu.vector_store %arg4[%swap3A, %swap3A_20, %swap3A_21], %swap3A_24 {strides = array<i32>} : memref<2x1000x128xf32, #tpu.memory_space<vmem>>, vector<1x1000x128xf32>,
    %slice3A_25 = vector.extract_strided_slice %mul3A_19 {offsets = [0, 128], sizes = [1000, 128], strides = [1, 1]} : vector<1000x256xf32> to vector<1000x128xf32>
    %swap3A_26 = arith.constant 1 : index
    %swap3A_27 = arith.constant 0 : index
    %swap3A_28 = arith.constant 0 : index
    %swap3A_29 = vector.load %arg4[%swap3A_26, %swap3A_27, %swap3A_28] : memref<2x1000x128xf32, #tpu.memory_space<vmem>>, vector<1x1000x128xf32>
    %swap3A_30 = vector.shape_cast %swap3A_29 : vector<1x1000x128xf32> to vector<1000x128xf32>
    %swap3A_31 = vector.shape_cast %slice3A_25 : vector<1000x128xf32> to vector<1x1000x128xf32>
    tpu.vector_store %arg4[%swap3A_26, %swap3A_27, %swap3A_28], %swap3A_31 {strides = array<i32>} : memref<2x1000x128xf32, #tpu.memory_space<vmem>>, vector<1x1000x128xf32>,
    return
  }
  func.func @transform_0(%arg0: i32) -> (i32, i32) {
    %c0_i32 = arith.constant 0 : i32
    %c0_i32_0 = arith.constant 0 : i32
    return %arg0, %c0_i32 : i32, i32
  }
  func.func @transform_1(%arg0: i32) -> (i32, i32) {
    %c0_i32 = arith.constant 0 : i32
    %c0_i32_0 = arith.constant 0 : i32
    %c0_i32_1 = arith.constant 0 : i32
    return %c0_i32, %c0_i32_0 : i32, i32
  }
  func.func @transform_2(%arg0: i32) -> (i32, i32, i32) {
    %c0_i32 = arith.constant 0 : i32
    %c0_i32_0 = arith.constant 0 : i32
    %c0_i32_1 = arith.constant 0 : i32
    return %c0_i32, %arg0, %c0_i32_0 : i32, i32, i32
  }
  func.func @transform_3(%arg0: i32) -> (i32, i32, i32) {
    %c0_i32 = arith.constant 0 : i32
    %c0_i32_0 = arith.constant 0 : i32
    %c0_i32_1 = arith.constant 0 : i32
    return %c0_i32, %arg0, %c0_i32_0 : i32, i32, i32
  }
}

module attributes {stable_mosaic.version = 14 : i64} {
  func.func @_mid_body(%arg0: i32, %arg1: memref<2x1000x128xf32, #tpu.memory_space<vmem>>, %arg2: memref<2x1000x128xf32, #tpu.memory_space<vmem>>, %arg3: memref<2x1000x16xf32, #tpu.memory_space<vmem>>, %arg4: memref<256x256xf32, #tpu.memory_space<vmem>>, %arg5: memref<1x256xf32, #tpu.memory_space<vmem>>, %arg6: memref<2x1000x128xf32, #tpu.memory_space<vmem>>) attributes {dimension_semantics = [#tpu.dimension_semantics<arbitrary>], iteration_bounds = array<i64: 10>, scalar_prefetch = 0 : i64, scratch_operands = 0 : i64, tpu.core_type = #tpu.core_type<tc>, window_params = [{transform_indices = @transform_0, window_bounds = array<i64: 2, 1000, 128>}, {transform_indices = @transform_1, window_bounds = array<i64: 2, 1000, 128>}, {transform_indices = @transform_2, window_bounds = array<i64: 2, 1000, 16>}, {pipeline_mode = #tpu.pipeline_mode<synchronous>, transform_indices = @transform_3, window_bounds = array<i64: 256, 256>}, {pipeline_mode = #tpu.pipeline_mode<synchronous>, transform_indices = @transform_4, window_bounds = array<i64: 1, 256>}, {transform_indices = @transform_5, window_bounds = array<i64: 2, 1000, 128>}]} {
    %get3A = arith.constant 0 : index
    %get3A_0 = arith.constant 0 : index
    %get3A_1 = arith.constant 0 : index
    %get3A_2 = vector.load %arg3[%get3A, %get3A_0, %get3A_1] : memref<2x1000x16xf32, #tpu.memory_space<vmem>>, vector<1x1000x1xf32>
    %get3A_3 = vector.shape_cast %get3A_2 : vector<1x1000x1xf32> to vector<1000x1xf32>
    %get3A_4 = arith.constant 1 : index
    %get3A_5 = arith.constant 0 : index
    %get3A_6 = arith.constant 0 : index
    %get3A_7 = vector.load %arg3[%get3A_4, %get3A_5, %get3A_6] : memref<2x1000x16xf32, #tpu.memory_space<vmem>>, vector<1x1000x1xf32>
    %get3A_8 = vector.shape_cast %get3A_7 : vector<1x1000x1xf32> to vector<1000x1xf32>
    %add3A = arith.addf %get3A_3, %get3A_8 : vector<1000x1xf32>
    %add3A_9 = arith.constant 1.000000e+00 : f32
    %add3A_10 = vector.broadcast %add3A_9 : f32 to vector<1000x1xf32>
    %add3A_11 = arith.addf %add3A, %add3A_10 : vector<1000x1xf32>
    %rsqrt3A = math.rsqrt %add3A_11 : vector<1000x1xf32>
    %get3A_12 = arith.constant 0 : index
    %get3A_13 = arith.constant 0 : index
    %get3A_14 = arith.constant 0 : index
    %get3A_15 = vector.load %arg1[%get3A_12, %get3A_13, %get3A_14] : memref<2x1000x128xf32, #tpu.memory_space<vmem>>, vector<1x1000x128xf32>
    %get3A_16 = vector.shape_cast %get3A_15 : vector<1x1000x128xf32> to vector<1000x128xf32>
    %get3A_17 = arith.constant 0 : index
    %get3A_18 = arith.constant 0 : index
    %get3A_19 = arith.constant 0 : index
    %get3A_20 = vector.load %arg2[%get3A_17, %get3A_18, %get3A_19] : memref<2x1000x128xf32, #tpu.memory_space<vmem>>, vector<1x1000x128xf32>
    %get3A_21 = vector.shape_cast %get3A_20 : vector<1x1000x128xf32> to vector<1000x128xf32>
    %add3A_22 = arith.addf %get3A_16, %get3A_21 : vector<1000x128xf32>
    %mul3A = vector.broadcast %rsqrt3A : vector<1000x1xf32> to vector<1000x128xf32>
    %mul3A_23 = arith.mulf %add3A_22, %mul3A : vector<1000x128xf32>
    %get3A_24 = arith.constant 0 : index
    %get3A_25 = arith.constant 0 : index
    %get3A_26 = vector.load %arg5[%get3A_24, %get3A_25] : memref<1x256xf32, #tpu.memory_space<vmem>>, vector<1x128xf32>
    %get3A_27 = vector.shape_cast %get3A_26 : vector<1x128xf32> to vector<128xf32>
    %broadcast_in_dim3A = vector.shape_cast %get3A_27 : vector<128xf32> to vector<1x128xf32>
    %add3A_28 = vector.broadcast %broadcast_in_dim3A : vector<1x128xf32> to vector<1000x128xf32>
    %add3A_29 = arith.addf %mul3A_23, %add3A_28 : vector<1000x128xf32>
    %get3A_30 = arith.constant 1 : index
    %get3A_31 = arith.constant 0 : index
    %get3A_32 = arith.constant 0 : index
    %get3A_33 = vector.load %arg1[%get3A_30, %get3A_31, %get3A_32] : memref<2x1000x128xf32, #tpu.memory_space<vmem>>, vector<1x1000x128xf32>
    %get3A_34 = vector.shape_cast %get3A_33 : vector<1x1000x128xf32> to vector<1000x128xf32>
    %get3A_35 = arith.constant 1 : index
    %get3A_36 = arith.constant 0 : index
    %get3A_37 = arith.constant 0 : index
    %get3A_38 = vector.load %arg2[%get3A_35, %get3A_36, %get3A_37] : memref<2x1000x128xf32, #tpu.memory_space<vmem>>, vector<1x1000x128xf32>
    %get3A_39 = vector.shape_cast %get3A_38 : vector<1x1000x128xf32> to vector<1000x128xf32>
    %add3A_40 = arith.addf %get3A_34, %get3A_39 : vector<1000x128xf32>
    %mul3A_41 = vector.broadcast %rsqrt3A : vector<1000x1xf32> to vector<1000x128xf32>
    %mul3A_42 = arith.mulf %add3A_40, %mul3A_41 : vector<1000x128xf32>
    %get3A_43 = arith.constant 0 : index
    %get3A_44 = arith.constant 128 : index
    %get3A_45 = vector.load %arg5[%get3A_43, %get3A_44] : memref<1x256xf32, #tpu.memory_space<vmem>>, vector<1x128xf32>
    %get3A_46 = vector.shape_cast %get3A_45 : vector<1x128xf32> to vector<128xf32>
    %broadcast_in_dim3A_47 = vector.shape_cast %get3A_46 : vector<128xf32> to vector<1x128xf32>
    %add3A_48 = vector.broadcast %broadcast_in_dim3A_47 : vector<1x128xf32> to vector<1000x128xf32>
    %add3A_49 = arith.addf %mul3A_42, %add3A_48 : vector<1000x128xf32>
    %concatenate3A = tpu.concatenate %add3A_29, %add3A_49 in 1 : vector<1000x128xf32>, vector<1000x128xf32> -> vector<1000x256xf32>
    %max3A = arith.constant 0.000000e+00 : f32
    %max3A_50 = vector.broadcast %max3A : f32 to vector<1000x256xf32>
    %max3A_51 = arith.maximumf %concatenate3A, %max3A_50 : vector<1000x256xf32>
    %get3A_52 = arith.constant 0 : index
    %get3A_53 = arith.constant 0 : index
    %get3A_54 = vector.load %arg4[%get3A_52, %get3A_53] : memref<256x256xf32, #tpu.memory_space<vmem>>, vector<256x256xf32>
    %dot_general3A = arith.constant dense<0.000000e+00> : vector<1000x256xf32>
    %dot_general3A_55 = tpu.matmul %max3A_51, %get3A_54, %dot_general3A {dimension_numbers = #tpu.dot_dimension_numbers<[1], [0], [0], [1], [0, 0, 1, 1], [], []>, transpose_lhs_hint = false} : vector<1000x256xf32>, vector<256x256xf32>, vector<1000x256xf32> -> vector<1000x256xf32>
    %mul3A_56 = vector.broadcast %rsqrt3A : vector<1000x1xf32> to vector<1000x256xf32>
    %mul3A_57 = arith.mulf %dot_general3A_55, %mul3A_56 : vector<1000x256xf32>
    %slice3A = vector.extract_strided_slice %mul3A_57 {offsets = [0, 0], sizes = [1000, 128], strides = [1, 1]} : vector<1000x256xf32> to vector<1000x128xf32>
    %swap3A = arith.constant 0 : index
    %swap3A_58 = arith.constant 0 : index
    %swap3A_59 = arith.constant 0 : index
    %swap3A_60 = vector.load %arg6[%swap3A, %swap3A_58, %swap3A_59] : memref<2x1000x128xf32, #tpu.memory_space<vmem>>, vector<1x1000x128xf32>
    %swap3A_61 = vector.shape_cast %swap3A_60 : vector<1x1000x128xf32> to vector<1000x128xf32>
    %swap3A_62 = vector.shape_cast %slice3A : vector<1000x128xf32> to vector<1x1000x128xf32>
    tpu.vector_store %arg6[%swap3A, %swap3A_58, %swap3A_59], %swap3A_62 {strides = array<i32>} : memref<2x1000x128xf32, #tpu.memory_space<vmem>>, vector<1x1000x128xf32>,
    %slice3A_63 = vector.extract_strided_slice %mul3A_57 {offsets = [0, 128], sizes = [1000, 128], strides = [1, 1]} : vector<1000x256xf32> to vector<1000x128xf32>
    %swap3A_64 = arith.constant 1 : index
    %swap3A_65 = arith.constant 0 : index
    %swap3A_66 = arith.constant 0 : index
    %swap3A_67 = vector.load %arg6[%swap3A_64, %swap3A_65, %swap3A_66] : memref<2x1000x128xf32, #tpu.memory_space<vmem>>, vector<1x1000x128xf32>
    %swap3A_68 = vector.shape_cast %swap3A_67 : vector<1x1000x128xf32> to vector<1000x128xf32>
    %swap3A_69 = vector.shape_cast %slice3A_63 : vector<1000x128xf32> to vector<1x1000x128xf32>
    tpu.vector_store %arg6[%swap3A_64, %swap3A_65, %swap3A_66], %swap3A_69 {strides = array<i32>} : memref<2x1000x128xf32, #tpu.memory_space<vmem>>, vector<1x1000x128xf32>,
    return
  }
  func.func @transform_0(%arg0: i32) -> (i32, i32, i32) {
    %c0_i32 = arith.constant 0 : i32
    %c0_i32_0 = arith.constant 0 : i32
    %c0_i32_1 = arith.constant 0 : i32
    return %c0_i32, %arg0, %c0_i32_0 : i32, i32, i32
  }
  func.func @transform_1(%arg0: i32) -> (i32, i32, i32) {
    %c0_i32 = arith.constant 0 : i32
    %c0_i32_0 = arith.constant 0 : i32
    %c0_i32_1 = arith.constant 0 : i32
    return %c0_i32, %arg0, %c0_i32_0 : i32, i32, i32
  }
  func.func @transform_2(%arg0: i32) -> (i32, i32, i32) {
    %c0_i32 = arith.constant 0 : i32
    %c0_i32_0 = arith.constant 0 : i32
    %c0_i32_1 = arith.constant 0 : i32
    return %c0_i32, %arg0, %c0_i32_0 : i32, i32, i32
  }
  func.func @transform_3(%arg0: i32) -> (i32, i32) {
    %c0_i32 = arith.constant 0 : i32
    %c0_i32_0 = arith.constant 0 : i32
    %c0_i32_1 = arith.constant 0 : i32
    return %c0_i32, %c0_i32_0 : i32, i32
  }
  func.func @transform_4(%arg0: i32) -> (i32, i32) {
    %c0_i32 = arith.constant 0 : i32
    %c0_i32_0 = arith.constant 0 : i32
    %c0_i32_1 = arith.constant 0 : i32
    return %c0_i32, %c0_i32_0 : i32, i32
  }
  func.func @transform_5(%arg0: i32) -> (i32, i32, i32) {
    %c0_i32 = arith.constant 0 : i32
    %c0_i32_0 = arith.constant 0 : i32
    %c0_i32_1 = arith.constant 0 : i32
    return %c0_i32, %arg0, %c0_i32_0 : i32, i32, i32
  }
}

module attributes {stable_mosaic.version = 14 : i64} {
  func.func @_fin_body(%arg0: i32, %arg1: memref<2x1000x128xf32, #tpu.memory_space<vmem>>, %arg2: memref<2x1000x128xf32, #tpu.memory_space<vmem>>, %arg3: memref<2x1000x16xf32, #tpu.memory_space<vmem>>, %arg4: memref<1x256xf32, #tpu.memory_space<vmem>>, %arg5: memref<1000x256xf32, #tpu.memory_space<vmem>>) attributes {dimension_semantics = [#tpu.dimension_semantics<arbitrary>], iteration_bounds = array<i64: 10>, scalar_prefetch = 0 : i64, scratch_operands = 0 : i64, tpu.core_type = #tpu.core_type<tc>, window_params = [{transform_indices = @transform_0, window_bounds = array<i64: 2, 1000, 128>}, {transform_indices = @transform_1, window_bounds = array<i64: 2, 1000, 128>}, {transform_indices = @transform_2, window_bounds = array<i64: 2, 1000, 16>}, {pipeline_mode = #tpu.pipeline_mode<synchronous>, transform_indices = @transform_3, window_bounds = array<i64: 1, 256>}, {transform_indices = @transform_4, window_bounds = array<i64: 1000, 256>}]} {
    %get3A = arith.constant 0 : index
    %get3A_0 = arith.constant 0 : index
    %get3A_1 = arith.constant 0 : index
    %get3A_2 = vector.load %arg3[%get3A, %get3A_0, %get3A_1] : memref<2x1000x16xf32, #tpu.memory_space<vmem>>, vector<1x1000x1xf32>
    %get3A_3 = vector.shape_cast %get3A_2 : vector<1x1000x1xf32> to vector<1000x1xf32>
    %get3A_4 = arith.constant 1 : index
    %get3A_5 = arith.constant 0 : index
    %get3A_6 = arith.constant 0 : index
    %get3A_7 = vector.load %arg3[%get3A_4, %get3A_5, %get3A_6] : memref<2x1000x16xf32, #tpu.memory_space<vmem>>, vector<1x1000x1xf32>
    %get3A_8 = vector.shape_cast %get3A_7 : vector<1x1000x1xf32> to vector<1000x1xf32>
    %add3A = arith.addf %get3A_3, %get3A_8 : vector<1000x1xf32>
    %add3A_9 = arith.constant 1.000000e+00 : f32
    %add3A_10 = vector.broadcast %add3A_9 : f32 to vector<1000x1xf32>
    %add3A_11 = arith.addf %add3A, %add3A_10 : vector<1000x1xf32>
    %rsqrt3A = math.rsqrt %add3A_11 : vector<1000x1xf32>
    %get3A_12 = arith.constant 0 : index
    %get3A_13 = arith.constant 0 : index
    %get3A_14 = arith.constant 0 : index
    %get3A_15 = vector.load %arg1[%get3A_12, %get3A_13, %get3A_14] : memref<2x1000x128xf32, #tpu.memory_space<vmem>>, vector<1x1000x128xf32>
    %get3A_16 = vector.shape_cast %get3A_15 : vector<1x1000x128xf32> to vector<1000x128xf32>
    %get3A_17 = arith.constant 0 : index
    %get3A_18 = arith.constant 0 : index
    %get3A_19 = arith.constant 0 : index
    %get3A_20 = vector.load %arg2[%get3A_17, %get3A_18, %get3A_19] : memref<2x1000x128xf32, #tpu.memory_space<vmem>>, vector<1x1000x128xf32>
    %get3A_21 = vector.shape_cast %get3A_20 : vector<1x1000x128xf32> to vector<1000x128xf32>
    %add3A_22 = arith.addf %get3A_16, %get3A_21 : vector<1000x128xf32>
    %mul3A = vector.broadcast %rsqrt3A : vector<1000x1xf32> to vector<1000x128xf32>
    %mul3A_23 = arith.mulf %add3A_22, %mul3A : vector<1000x128xf32>
    %get3A_24 = arith.constant 0 : index
    %get3A_25 = arith.constant 0 : index
    %get3A_26 = vector.load %arg4[%get3A_24, %get3A_25] : memref<1x256xf32, #tpu.memory_space<vmem>>, vector<1x128xf32>
    %get3A_27 = vector.shape_cast %get3A_26 : vector<1x128xf32> to vector<128xf32>
    %broadcast_in_dim3A = vector.shape_cast %get3A_27 : vector<128xf32> to vector<1x128xf32>
    %add3A_28 = vector.broadcast %broadcast_in_dim3A : vector<1x128xf32> to vector<1000x128xf32>
    %add3A_29 = arith.addf %mul3A_23, %add3A_28 : vector<1000x128xf32>
    %get3A_30 = arith.constant 1 : index
    %get3A_31 = arith.constant 0 : index
    %get3A_32 = arith.constant 0 : index
    %get3A_33 = vector.load %arg1[%get3A_30, %get3A_31, %get3A_32] : memref<2x1000x128xf32, #tpu.memory_space<vmem>>, vector<1x1000x128xf32>
    %get3A_34 = vector.shape_cast %get3A_33 : vector<1x1000x128xf32> to vector<1000x128xf32>
    %get3A_35 = arith.constant 1 : index
    %get3A_36 = arith.constant 0 : index
    %get3A_37 = arith.constant 0 : index
    %get3A_38 = vector.load %arg2[%get3A_35, %get3A_36, %get3A_37] : memref<2x1000x128xf32, #tpu.memory_space<vmem>>, vector<1x1000x128xf32>
    %get3A_39 = vector.shape_cast %get3A_38 : vector<1x1000x128xf32> to vector<1000x128xf32>
    %add3A_40 = arith.addf %get3A_34, %get3A_39 : vector<1000x128xf32>
    %mul3A_41 = vector.broadcast %rsqrt3A : vector<1000x1xf32> to vector<1000x128xf32>
    %mul3A_42 = arith.mulf %add3A_40, %mul3A_41 : vector<1000x128xf32>
    %get3A_43 = arith.constant 0 : index
    %get3A_44 = arith.constant 128 : index
    %get3A_45 = vector.load %arg4[%get3A_43, %get3A_44] : memref<1x256xf32, #tpu.memory_space<vmem>>, vector<1x128xf32>
    %get3A_46 = vector.shape_cast %get3A_45 : vector<1x128xf32> to vector<128xf32>
    %broadcast_in_dim3A_47 = vector.shape_cast %get3A_46 : vector<128xf32> to vector<1x128xf32>
    %add3A_48 = vector.broadcast %broadcast_in_dim3A_47 : vector<1x128xf32> to vector<1000x128xf32>
    %add3A_49 = arith.addf %mul3A_42, %add3A_48 : vector<1000x128xf32>
    %max3A = arith.constant 0.000000e+00 : f32
    %max3A_50 = vector.broadcast %max3A : f32 to vector<1000x128xf32>
    %max3A_51 = arith.maximumf %add3A_29, %max3A_50 : vector<1000x128xf32>
    %swap3A = arith.constant 0 : index
    %swap3A_52 = arith.constant 0 : index
    %swap3A_53 = vector.load %arg5[%swap3A, %swap3A_52] : memref<1000x256xf32, #tpu.memory_space<vmem>>, vector<1000x128xf32>
    tpu.vector_store %arg5[%swap3A, %swap3A_52], %max3A_51 {strides = array<i32>} : memref<1000x256xf32, #tpu.memory_space<vmem>>, vector<1000x128xf32>,
    %max3A_54 = arith.constant 0.000000e+00 : f32
    %max3A_55 = vector.broadcast %max3A_54 : f32 to vector<1000x128xf32>
    %max3A_56 = arith.maximumf %add3A_49, %max3A_55 : vector<1000x128xf32>
    %swap3A_57 = arith.constant 0 : index
    %swap3A_58 = arith.constant 128 : index
    %swap3A_59 = vector.load %arg5[%swap3A_57, %swap3A_58] : memref<1000x256xf32, #tpu.memory_space<vmem>>, vector<1000x128xf32>
    tpu.vector_store %arg5[%swap3A_57, %swap3A_58], %max3A_56 {strides = array<i32>} : memref<1000x256xf32, #tpu.memory_space<vmem>>, vector<1000x128xf32>,
    return
  }
  func.func @transform_0(%arg0: i32) -> (i32, i32, i32) {
    %c0_i32 = arith.constant 0 : i32
    %c0_i32_0 = arith.constant 0 : i32
    %c0_i32_1 = arith.constant 0 : i32
    return %c0_i32, %arg0, %c0_i32_0 : i32, i32, i32
  }
  func.func @transform_1(%arg0: i32) -> (i32, i32, i32) {
    %c0_i32 = arith.constant 0 : i32
    %c0_i32_0 = arith.constant 0 : i32
    %c0_i32_1 = arith.constant 0 : i32
    return %c0_i32, %arg0, %c0_i32_0 : i32, i32, i32
  }
  func.func @transform_2(%arg0: i32) -> (i32, i32, i32) {
    %c0_i32 = arith.constant 0 : i32
    %c0_i32_0 = arith.constant 0 : i32
    %c0_i32_1 = arith.constant 0 : i32
    return %c0_i32, %arg0, %c0_i32_0 : i32, i32, i32
  }
  func.func @transform_3(%arg0: i32) -> (i32, i32) {
    %c0_i32 = arith.constant 0 : i32
    %c0_i32_0 = arith.constant 0 : i32
    %c0_i32_1 = arith.constant 0 : i32
    return %c0_i32, %c0_i32_0 : i32, i32
  }
  func.func @transform_4(%arg0: i32) -> (i32, i32) {
    %c0_i32 = arith.constant 0 : i32
    %c0_i32_0 = arith.constant 0 : i32
    return %arg0, %c0_i32 : i32, i32
  }
}

</mosaic_0001>

<sc_bundles>
// kernel: kernel.11.cloned.1.call-start
scs
__scs_entry_jumppad:
0x0: {  	(pc) =	sbr.rel $0x88, $3  }
0x1: {  	(tag) =	ssettag $0x0;
	lr =	simm.s32 $0x1  }
0x2: {  	[smem:$0x3F9B] =	sst lr;
	_ =	strace $0xD0000000  }
0x3: {  	_ = 	snop  }
0x4: {  	_ = 	snop  }
0x5: {  	_ = 	snop  }
0x6: {  	_ = 	snop  }
0x7: {  	_ = 	snop  }
__scs_overlays_trampoline_lowered:
0x8: {  	[smem:$0x3FAA] =	sst s0  }
0x9: {  	[smem:$0x3FAB] =	sst s1  }
0xa: {  	[smem:$0x3FAC] =	sst s2  }
0xb: {  	[smem:$0x3FAD] =	sst s3  }
0xc: {  	[smem:$0x3FAE] =	sst s4  }
0xd: {  	[smem:$0x3FAF] =	sst s5  }
0xe: {  	[smem:$0x3FB0] =	sst s6  }
0xf: {  	[smem:$0x3FB1] =	sst s7  }
0x10: {  	[smem:$0x3FB2] =	sst s8  }
0x11: {  	[smem:$0x3FB3] =	sst s9;
	s0 =	simm.s32 @!p0 $0x0  }
0x12: {  	s1 =	sld [smem:$0x3F99];
	s0 =	simm.s32 @p0 $0x1  }
0x13: {  	[smem:$0x3FB4] =	sst s0;
	s0 =	simm.s32 @!p1 $0x0  }
0x14: {  	s2 =	sld [smem:$0x3F98];
	s0 =	simm.s32 @p1 $0x1  }
0x15: {  	[smem:$0x3FB5] =	sst s0;
	s0 =	simm.s32 @!p2 $0x0  }
0x16: {  	s3 =	sld [smem:$0x3FDB];
	s0 =	simm.s32 @p2 $0x1  }
0x17: {  	s4 =	simm.s32 $0x1BF5;
	[smem:$0x3FB7] =	sst s0  }
0x18: {  	s0 =	sld [smem:$0x3F9A];
	_ =	swait.ge [sflag:s4], $0x0  }
0x19: {  	s7 =	sld [smem:$0x3F9B]  }
0x1a: {  	s8 =	sadd.s32 $0xFFFFE003, lr  }
0x1b: {  	s9 =	sadd.s32 $0xFFFFFEF7, lr;
	s5 =	simm.s32 $0xFFFFFFFF;
	p2 =	slt.u32 s8, $0xFFFFF086  }
0x1c: {  	p1 =	slt.u32 s9, $0xF7A;
	s5 =	simm.s32 @!p2 $0x0  }
0x1d: {  	s5 =	simm.s32 @p1 $0x1;
	p0 =	seq.s32 s7, s2  }
0x1e: {  	s7 =	smul.u32 @!p0 $0xF7A, s2;
	p2 =	seq.s32 @!p0 s5, $0x0  }
0x1f: {  	s9 =	smul.u32 $0xF7A, s1;
	s8 =	simm.s32 @!p0 $0x1BF5;
	p2 =	por !p2, p0  }
0x20: {  	[sflag:s8] =	ssyncset.s32 @!p0 $0xFFFFF086;
	s6 =	sadd.s32 @!p0 s3, s7;
	s7 =	simm.s32 @!p0 $0x108  }
0x21: {  	s3 =	sadd.s32 s3, s9;
	s6 =	sadd.s32 @!p0 $0x88, s6;
	s7 =	simm.s32 @p2 $0x1082  }
0x22: {  	[simem:s7], [sflag:s8] =	dma.local @!p0 [hbm:s6], $0xF7A  }
0x23: {  	s9 =	sor.u32 $0xD0000000, s2;
	s6 =	simm.s32 $0x108;
	_ =	swait.ge @!p0 [sflag:s8], $0x0  }
0x24: {  	s3 =	sadd.s32 $0x88, s3;
	s6 =	simm.s32 @!p1 $0x1082;
	[sflag:s4] =	ssyncset.s32 $0xFFFFF086  }
0x25: {  	[simem:s6], [sflag:s4] =	dma.local [hbm:s3], $0xF7A  }
0x26: {  	[smem:$0x3F9B] =	sst s1;
	(tag) =	ssettag s2;
	_ =	strace s9  }
0x27: {  	s1 =	sld [smem:$0x3FAB]  }
0x28: {  	s2 =	sld [smem:$0x3FAC]  }
0x29: {  	s4 =	sld [smem:$0x3FAE]  }
0x2a: {  	p0 =	seq.s32 s5, $0x0;
	s5 =	sld [smem:$0x3FAF]  }
0x2b: {  	s6 =	sld [smem:$0x3FB0]  }
0x2c: {  	s7 =	sld [smem:$0x3FB1]  }
0x2d: {  	s3 =	simm.s32 $0x108;
	s8 =	sld [smem:$0x3FB2]  }
0x2e: {  	s3 =	simm.s32 @!p0 $0x1082;
	s9 =	sld [smem:$0x3FB3]  }
0x2f: {  	lr =	sadd.s32 s0, s3;
	s0 =	sld [smem:$0x3FAA]  }
0x30: {  	s3 =	sld [smem:$0x3FAD]  }
0x31: {  	[smem:$0x3FB6] =	sst s10  }
0x32: {  	s10 =	sld [smem:$0x3FB4];
	_ =	sdelay $0x3  }
0x33: {  	p0 =	seq.s32 s10, $0x1;
	s10 =	sld [smem:$0x3FB6];
	_ =	sdelay $0x3  }
0x34: {  	[smem:$0x3FB6] =	sst s10  }
0x35: {  	s10 =	sld [smem:$0x3FB5];
	_ =	sdelay $0x3  }
0x36: {  	p1 =	seq.s32 s10, $0x1;
	s10 =	sld [smem:$0x3FB6];
	_ =	sdelay $0x3  }
0x37: {  	[smem:$0x3FB6] =	sst s10  }
0x38: {  	s10 =	sld [smem:$0x3FB7]  }
0x39: {  	_ = 	snop;
	(pc) =	sbr.ind lr, $3  }
0x3a: {  	_ = 	snop  }
0x3b: {  	_ = 	snop  }
0x3c: {  	p2 =	seq.s32 s10, $0x1;
	s10 =	sld [smem:$0x3FB6]  }
0x3d: {  	_ =	shalt  }
0x3e: {  	_ =	shalt  }
0x3f: {  	_ =	shalt  }
0x40: {  	_ =	shalt  }
0x41: {  	_ =	shalt  }
0x42: {  	_ =	shalt  }
0x43: {  	_ =	shalt  }
0x44: {  	_ =	shalt  }
0x45: {  	_ =	shalt  }
0x46: {  	_ =	shalt  }
0x47: {  	_ =	shalt  }
0x48: {  	_ =	shalt  }
0x49: {  	_ =	shalt  }
0x4a: {  	_ =	shalt  }
0x4b: {  	_ =	shalt  }
0x4c: {  	_ =	shalt  }
0x4d: {  	_ =	shalt  }
0x4e: {  	_ =	shalt  }
0x4f: {  	_ =	shalt  }
0x50: {  	_ =	shalt  }
0x51: {  	_ =	shalt  }
0x52: {  	_ =	shalt  }
0x53: {  	_ =	shalt  }
0x54: {  	_ =	shalt  }
0x55: {  	_ =	shalt  }
0x56: {  	_ =	shalt  }
0x57: {  	_ =	shalt  }
0x58: {  	_ =	shalt  }
0x59: {  	_ =	shalt  }
0x5a: {  	_ =	shalt  }
0x5b: {  	_ =	shalt  }
0x5c: {  	_ =	shalt  }
0x5d: {  	_ =	shalt  }
0x5e: {  	_ =	shalt  }
0x5f: {  	_ =	shalt  }
0x60: {  	_ =	shalt  }
0x61: {  	_ =	shalt  }
0x62: {  	_ =	shalt  }
0x63: {  	_ =	shalt  }
0x64: {  	_ =	shalt  }
0x65: {  	_ =	shalt  }
0x66: {  	_ =	shalt  }
0x67: {  	_ =	shalt  }
0x68: {  	_ =	shalt  }
0x69: {  	_ =	shalt  }
0x6a: {  	_ =	shalt  }
0x6b: {  	_ =	shalt  }
0x6c: {  	_ =	shalt  }
0x6d: {  	_ =	shalt  }
0x6e: {  	_ =	shalt  }
0x6f: {  	_ =	shalt  }
0x70: {  	_ =	shalt  }
0x71: {  	_ =	shalt  }
0x72: {  	_ =	shalt  }
0x73: {  	_ =	shalt  }
0x74: {  	_ =	shalt  }
0x75: {  	_ =	shalt  }
0x76: {  	_ =	shalt  }
0x77: {  	_ =	shalt  }
0x78: {  	_ =	shalt  }
0x79: {  	_ =	shalt  }
0x7a: {  	_ =	shalt  }
0x7b: {  	_ =	shalt  }
0x7c: {  	_ =	shalt  }
0x7d: {  	_ =	shalt  }
0x7e: {  	_ =	shalt  }
0x7f: {  	_ =	shalt  }
0x80: {  	_ =	shalt  }
0x81: {  	_ =	shalt  }
0x82: {  	_ =	shalt  }
0x83: {  	_ =	shalt  }
0x84: {  	_ =	shalt  }
0x85: {  	_ =	shalt  }
0x86: {  	_ =	shalt  }
0x87: {  	_ =	shalt  }
.Lfunc_end0:
.L_simem_size_0:
called_computation.1_lowered:
.L_overlay_start_0:
0x88: {  	s2 =	sld [smem:$0x3FD9]  }
0x89: {  	s3 =	sld [smem:$0x3FFE];
	_ =	sdelay $0x1  }
0x8a: {  	s1 =	srdreg.scid  }
0x8b: {  	s0 =	sand.u32 $0x1, s1  }
0x8c: {  	s17 =	sshll.u32 s0, $0xA;
	s2 =	sadd.s32 s3, s2  }
0x8d: {  	s2 =	sadd.s32 s2, s17  }
0x8e: {  	[smem:$0x3FC2] =	sst s2  }
0x8f: {  	_ = 	snop  }
0x90: {  	s2 =	sld [smem:$0x3FD0];
	(tm) =	ssettm $0x1  }
0x91: {  	s18 =	sld [smem:$0x3FFB];
	_ =	sdelay $0x3  }
0x92: {  	_ =	strace s18  }
0x93: {  	s3 =	sld [smem:$0x3FFC];
	_ =	sdelay $0x3  }
0x94: {  	_ =	strace s3  }
0x95: {  	s3 =	sld [smem:$0x3FFD];
	_ =	sdelay $0x3  }
0x96: {  	_ =	strace s3  }
0x97: {  	_ =	strace $0x8FFFFFFF  }
0x98: {  	s19 =	sld [smem:$0x3FDB];
	_ =	sdelay $0x1  }
0x99: {  	s4 =	simm.s32 $_scs_section_size  }
0x9a: {  	s5 =	simm.s32 $_size__tile_overlayer_lowered;
	s6 =	simm.s32 $_tile_overlayer_lowered  }
0x9b: {  	s22 =	simm.s32 $0x1BFF;
	s21 =	sshll.u32 s6, $0x1;
	s3 =	sadd.s32 s4, s19  }
0x9c: {  	s7 =	simm.s32 $0x0;
	s20 =	sshll.u32 s5, $0x1;
	s5 =	sadd.s32 s21, s3  }
0x9d: {  	[timem:s7], [sflag:s22] =	dma.local [hbm:s5], s20  }
0x9e: {  	_ =	swait.ge [sflag:s22], s20  }
0x9f: {  	s4 =	ssub.s32 $0x0, s20;
	[sflag:s22] =	ssyncset.done $0x0  }
0xa0: {  	[sflag:s22] =	ssyncadd.s32 s4;
	_ =	sdelay $0x1  }
0xa1: {  	s23 =	simm.s32 $0x1B8B  }
0xa2: {  	_ =	swait.ge [sflag:s23], $0x1  }
0xa3: {  	[sflag:s23] =	ssyncset.done $0x0  }
0xa4: {  	s25 =	simm.s32 $0x1B8E;
	s24 =	sld [smem:$0x3FFE];
	[sflag:s23] =	ssyncadd.s32 $0xFFFFFFFF  }
0xa5: {  	s26 =	simm.s32 $execute0_lowered;
	[smem:$0x3FD2] =	sst s25  }
0xa6: {  	s5 =	sshll.u32 s26, $0x1;
	_ =	strace $0x80000049;
	[dreg:$0x1] =	wrdreg $0xFFFFFFFF  }
0xa7: {  	s28 =	simm.s32 $_size_execute0_lowered;
	s3 =	sadd.s32 s3, s5;
	[dreg:$0x0] =	wrdreg $0x0  }
0xa8: {  	s5 =	sshll.u32 s28, $0x1;
	[dreg:$0x2] =	wrdreg s3  }
0xa9: {  	[dreg:$0x3] =	wrdreg s5  }
0xaa: {  	[dreg:$0x4] =	wrdreg $0xC0  }
0xab: {  	_ =	task [dreg:s7], $0x5FFFF  }
0xac: {  	[dreg:$0x1] =	wrdreg $0xFFFFFFFF  }
0xad: {  	[dreg:$0x0] =	wrdreg $0x60  }
0xae: {  	[dreg:$0x2] =	wrdreg s2  }
0xaf: {  	[dreg:$0x3] =	wrdreg s24  }
0xb0: {  	[dreg:$0x4] =	wrdreg $0x83400  }
0xb1: {  	[dreg:$0x5] =	wrdreg $0x9  }
0xb2: {  	_ =	task.clear_ibuf [dreg:s7], $0x6FFFF;
	_ =	strace $0x90000049  }
0xb3: {  	s29 =	simm.s32 $0x9;
	_ =	strace $0x8000004B  }
0xb4: {  	_ =	swait.ge [sflag:s29], $0x1  }
0xb5: {  	[sflag:s29] =	ssyncadd.s32 $0xFFFFFFFF  }
0xb6: {  	_ =	strace $0x9000004B  }
0xb7: {  	_ =	sfence  }
0xb8: {  	s30 =	sld [smem:$0x0];
	_ =	sdelay $0x2  }
0xb9: {  	s31 =	sshll.u32 s1, $0xD;
	s1 =	sshrl.u32 s1, $0x2  }
0xba: {  	s3 =	sand.u32 $0x4000, s31;
	s1 =	sadd.s32 s1, s30  }
0xbb: {  	s0 =	sor.u32 s3, s0;
	s1 =	sshll.u32 s1, $0x11  }
0xbc: {  	s0 =	sor.u32 s1, s0  }
0xbd: {  	s0 =	sadd.s32 $0x8F2B, s0  }
0xbe: {  	[sflag:s0] =	ssyncadd.remote.s32 $0x1  }
0xbf: {  	_ =	sfence.sel $0xFFFF  }
0xc0: {  	[dreg:$0x0] =	wrdreg $0xFFFFFFFF;
	(pc) =	sbr.abs _section_cstart, $3  }
0xc1: {  	[dreg:$0x1] =	wrdreg $0xFFFFFFFF  }
0xc2: {  	_ =	task.clear_ibuf [dreg:s7], $0x2FFFF;
	_ =	strace $0x9FFFFFFF  }
0xc3: {  	(tm) =	ssettm $0x7FFFFFFF  }
tec
execute0_lowered:
.L_overlay_start_1:
0x0: {  	(tag) =	ssettag $0x1  }
0x1: {  	s1 =	rddreg [dreg:$0x0]  }
0x2: {  	s2 =	srdreg.scid;
	s4 =	rddreg [dreg:$0x1]  }
0x3: {  	s0 =	stileid.u32;
	s7 =	rddreg [dreg:$0x2]  }
0x4: {  	s3 =	simm.s32 $0x0;
	s12 =	simm.s32 $0x1;
	s6 =	smul.u32 $0x28A0, s0  }
0x5: {  	s13 =	simm.s32 $0x6A40;
	s14 =	simm.s32 $0x2;
	s10 =	smul.u32 $0x13880, s0  }
0x6: {  	s15 =	simm.s32 $0x2838;
	s5 =	sand.u32 $0x1, s2;
	s11 =	smul.u32 $0x4E200, s0  }
0x7: {  	s18 =	simm.s32 $0x0;
	s2 =	rddreg [dreg:$0x3];
	s8 =	smul.u32 $0x28A00, s5  }
0x8: {  	[smem:$0x7FF] =	sst s3;
	s16 =	sshll.u32 s0, $0x6;
	s9 =	smul.u32 $0x138800, s5  }
0x9: {  	_ =	strace $0x8000004A;
	s5 =	ssub.s32 $0x2, s5;
	s16 =	sor.u32 $0x1C03, s16  }
0xa: {  	s30 =	sshrl.u32 s5, $0x1;
	s31 =	sshrl.u32 s11, $0x2;
	s11 =	simm.s32 $0x5140  }
0xb: {  	s8 =	sadd.s32 s6, s8;
	s6 =	sshrl.u32 s6, $0x3;
	s9 =	sadd.s32 s10, s9  }
0xc: {  	s10 =	ssub.s32 s5, s30;
	s17 =	sadd.s32 s31, s7;
	s8 =	sshrl.u32 s8, $0x3  }
0xd: {  	s9 =	sshrl.u32 s9, $0x3;
	s6 =	sadd.s32 s6, s4;
	s7 =	smax.u32 s10, $0x1  }
0xe: {  	s10 =	simm.s32 $0x64;
	s17 =	sshrl.u32 s17, $0x3;
	s8 =	sadd.s32 s8, s4  }
0xf: {  	s9 =	sadd.s32 s9, s4;
	s5 =	sadd.s32 $0x13200, s6;
	s4 =	sadd.s32 $0x8E00, s8  }
0x10: {  	s6 =	sadd.s32 $0x66600, s9;
	s8 =	simm.s32 $0x3;
	s9 =	simm.s32 $0x28A0  }
.LBB2_1:
0x11: {  	[tilespmem:s3], [sflag:$0x3] =	stream.linear.gather [hbm4b:s4+s3], $0x28A0, $0x38;
	[tilespmem:$0x1BBC0] =	vst v63  }
0x12: {  	_ =	swait.ge [sflag:s8], $0x28A0  }
0x13: {  	[sflag:s8] =	ssyncset.done $0x0  }
0x14: {  	[sflag:s8] =	ssyncadd.s32 $0xFFFFD760  }
0x15: {  	[tilespmem:s9], [sflag:$0x3] =	stream.linear.gather [hbm4b:s5+s3], $0x28A0, $0x38;
	[tilespmem:$0x1BBC0] =	vst v63  }
0x16: {  	_ =	swait.ge [sflag:s8], $0x28A0  }
0x17: {  	[sflag:s8] =	ssyncset.done $0x0  }
0x18: {  	[sflag:s8] =	ssyncadd.s32 $0xFFFFD760  }
0x19: {  	[bflag:$0x0] =	sbarrier.arrive $0xFFFF  }
0x1a: {  	[tilespmem:s11], [sflag:$0x1] =	stream.indirect.gather [hbm4b:s1+s10], $0x40, s3, s10, $0xb8;
	[tilespmem:$0x1BBC0] =	vst v63  }
0x1b: {  	_ =	swait.ge [sflag:s12], $0x1900  }
0x1c: {  	[sflag:s12] =	ssyncset.done $0x0  }
0x1d: {  	s19 =	simm.s32 $0x68;
	[sflag:s12] =	ssyncadd.s32 $0xFFFFE700  }
0x1e: {  	[tilespmem:s13], [sflag:$0x2] =	stream.indirect.gather [hbm4b:s1+s10], $0x40, s19, s10, $0xb8;
	[tilespmem:$0x1BBC0] =	vst v63  }
0x1f: {  	_ =	swait.ge [sflag:s14], $0x1900  }
0x20: {  	[sflag:s14] =	ssyncset.done $0x0  }
0x21: {  	s20 =	simm.s32 $0xD0;
	s19 =	simm.s32 $0xFFFF6400;
	[sflag:s14] =	ssyncadd.s32 $0xFFFFE700  }
.LBB2_2:
0x22: {  	[tilespmem:s11], [sflag:$0x1] =	stream.indirect.gather [hbm4b:s1+s10], $0x40, s20, s10, $0xb8;
	[tilespmem:$0x1BBC0] =	vst v63  }
0x23: {  	s20 =	smov.u32 s19  }
0x24: {  	p0 =	sne.s32 s19, $0xFFFFFCC0;
	s19 =	sadd.s32 $0x340, s19;
	_ =	swait.ge [sflag:s12], $0x1900  }
0x25: {  	s20 =	sshra.s32 s20, $0x2;
	[sflag:s12] =	ssyncset.done $0x0  }
.Ltmp0:
0x26: {  	s21 =	sadd.s32 $0x2838, s20;
	[sflag:s12] =	ssyncadd.s32 $0xFFFFE700;
	(pc) =	sbr.rel @p0 .LBB2_2-.Ltmp0, $4  }
0x27: {  	[tilespmem:s13], [sflag:$0x2] =	stream.indirect.gather [hbm4b:s1+s10], $0x40, s21, s10, $0xb8;
	[tilespmem:$0x1BBC0] =	vst v63  }
0x28: {  	_ =	swait.ge [sflag:s14], $0x1900  }
0x29: {  	[sflag:s14] =	ssyncset.done $0x0  }
0x2a: {  	s20 =	sadd.s32 $0x28A0, s20;
	[sflag:s14] =	ssyncadd.s32 $0xFFFFE700  }
0x2b: {  	[tilespmem:s11], [sflag:$0x1] =	stream.indirect.gather [hbm4b:s1+s10], $0x40, s20, s10, $0xb8;
	[tilespmem:$0x1BBC0] =	vst v63  }
0x2c: {  	_ =	swait.ge [sflag:s12], $0x1900  }
0x2d: {  	[sflag:s12] =	ssyncset.done $0x0  }
0x2e: {  	[sflag:s12] =	ssyncadd.s32 $0xFFFFE700  }
0x2f: {  	[tilespmem:s13], [sflag:$0x2] =	stream.indirect.gather [hbm4b:s1+s10], $0x40, s15, s10, $0xb8;
	[tilespmem:$0x1BBC0] =	vst v63  }
0x30: {  	_ =	swait.ge [sflag:s14], $0x1900  }
0x31: {  	s18 =	sadd.s32 $0x1, s18;
	[sflag:s14] =	ssyncset.done $0x0  }
0x32: {  	p0 =	sne.s32 s18, s7;
	[sflag:s14] =	ssyncadd.s32 $0xFFFFE700  }
.Ltmp1:
0x33: {  	[bflag:$0x0] =	sbarrier.arrive $0xFFFF;
	(pc) =	sbr.rel @p0 .LBB2_1-.Ltmp1, $4  }
0x34: {  	[hbm:s6], [sflag:s16] =	dma.local [spmem:s17], $0x2710  }
0x35: {  	_ =	swait.ge [sflag:s8], $0x2710  }
0x36: {  	[sflag:s8] =	ssyncset.done $0x0  }
0x37: {  	[sflag:s8] =	ssyncadd.s32 $0xFFFFD8F0  }
0x38: {  	_ =	sfence.sel $0x180000  }
0x39: {  	[bflag:$0x0] =	sbarrier.arrive $0xFFFF  }
0x3a: {  	p0 =	sne.s32 s0, $0x0;
	_ =	strace $0x9000004A  }
0x3b: {  	s0 =	sadd.s32 @!p0 $0x100000, s2;
	[bflag:$0x2] =	sbarrier.arrive $0xFFFF  }
0x3c: {  	[sflag:s0] =	ssyncadd.tile.s32 @!p0 $0x1;
	_ =	shalt  }
.Lfunc_end2:
_tile_overlayer_lowered:
.L_overlay_start_2:
0x3d: {  	(tag) =	ssettag $0x2  }
0x3e: {  	s0 =	rddreg [dreg:$0x0];
	s2 =	stileid.u32  }
0x3f: {  	s1 =	rddreg [dreg:$0x1];
	p0 =	sne.s32 s2, $0x0  }
0x40: {  	s3 =	rddreg [dreg:$0x2];
	[bflag:$0x3] =	sbarrier.arrive $0xFFFF;
	s2 =	simm.s32 @!p0 $0x1C03  }
0x41: {  	[timem:s3], [sflag:s2] =	dma.local @!p0 [hbm:s0], s1  }
0x42: {  	s0 =	simm.s32 @!p0 $0x3  }
0x43: {  	_ =	swait.ge @!p0 [sflag:s0], s1  }
0x44: {  	s1 =	ssub.s32 @!p0 $0x0, s1;
	[sflag:s0] =	ssyncset.done @!p0 $0x0  }
0x45: {  	[sflag:s0] =	ssyncadd.s32 @!p0 s1  }
0x46: {  	[bflag:$0x3] =	sbarrier.arrive $0xFFFF  }
0x47: {  	_ =	shalt  }

// kernel: kernel.14.cloned.1.call-start
scs
__scs_entry_jumppad:
0x0: {  	(pc) =	sbr.rel $0x88, $3  }
0x1: {  	(tag) =	ssettag $0x0;
	lr =	simm.s32 $0x1  }
0x2: {  	[smem:$0x3F9B] =	sst lr;
	_ =	strace $0xD0000000  }
0x3: {  	_ = 	snop  }
0x4: {  	_ = 	snop  }
0x5: {  	_ = 	snop  }
0x6: {  	_ = 	snop  }
0x7: {  	_ = 	snop  }
__scs_overlays_trampoline_lowered:
0x8: {  	[smem:$0x3FAA] =	sst s0  }
0x9: {  	[smem:$0x3FAB] =	sst s1  }
0xa: {  	[smem:$0x3FAC] =	sst s2  }
0xb: {  	[smem:$0x3FAD] =	sst s3  }
0xc: {  	[smem:$0x3FAE] =	sst s4  }
0xd: {  	[smem:$0x3FAF] =	sst s5  }
0xe: {  	[smem:$0x3FB0] =	sst s6  }
0xf: {  	[smem:$0x3FB1] =	sst s7  }
0x10: {  	[smem:$0x3FB2] =	sst s8  }
0x11: {  	[smem:$0x3FB3] =	sst s9;
	s0 =	simm.s32 @!p0 $0x0  }
0x12: {  	s1 =	sld [smem:$0x3F99];
	s0 =	simm.s32 @p0 $0x1  }
0x13: {  	[smem:$0x3FB4] =	sst s0;
	s0 =	simm.s32 @!p1 $0x0  }
0x14: {  	s2 =	sld [smem:$0x3F98];
	s0 =	simm.s32 @p1 $0x1  }
0x15: {  	[smem:$0x3FB5] =	sst s0;
	s0 =	simm.s32 @!p2 $0x0  }
0x16: {  	s3 =	sld [smem:$0x3FDB];
	s0 =	simm.s32 @p2 $0x1  }
0x17: {  	s4 =	simm.s32 $0x1BF5;
	[smem:$0x3FB7] =	sst s0  }
0x18: {  	s0 =	sld [smem:$0x3F9A];
	_ =	swait.ge [sflag:s4], $0x0  }
0x19: {  	s7 =	sld [smem:$0x3F9B]  }
0x1a: {  	s8 =	sadd.s32 $0xFFFFE003, lr  }
0x1b: {  	s9 =	sadd.s32 $0xFFFFFEF7, lr;
	s5 =	simm.s32 $0xFFFFFFFF;
	p2 =	slt.u32 s8, $0xFFFFF086  }
0x1c: {  	p1 =	slt.u32 s9, $0xF7A;
	s5 =	simm.s32 @!p2 $0x0  }
0x1d: {  	s5 =	simm.s32 @p1 $0x1;
	p0 =	seq.s32 s7, s2  }
0x1e: {  	s7 =	smul.u32 @!p0 $0xF7A, s2;
	p2 =	seq.s32 @!p0 s5, $0x0  }
0x1f: {  	s9 =	smul.u32 $0xF7A, s1;
	s8 =	simm.s32 @!p0 $0x1BF5;
	p2 =	por !p2, p0  }
0x20: {  	[sflag:s8] =	ssyncset.s32 @!p0 $0xFFFFF086;
	s6 =	sadd.s32 @!p0 s3, s7;
	s7 =	simm.s32 @!p0 $0x108  }
0x21: {  	s3 =	sadd.s32 s3, s9;
	s6 =	sadd.s32 @!p0 $0x88, s6;
	s7 =	simm.s32 @p2 $0x1082  }
0x22: {  	[simem:s7], [sflag:s8] =	dma.local @!p0 [hbm:s6], $0xF7A  }
0x23: {  	s9 =	sor.u32 $0xD0000000, s2;
	s6 =	simm.s32 $0x108;
	_ =	swait.ge @!p0 [sflag:s8], $0x0  }
0x24: {  	s3 =	sadd.s32 $0x88, s3;
	s6 =	simm.s32 @!p1 $0x1082;
	[sflag:s4] =	ssyncset.s32 $0xFFFFF086  }
0x25: {  	[simem:s6], [sflag:s4] =	dma.local [hbm:s3], $0xF7A  }
0x26: {  	[smem:$0x3F9B] =	sst s1;
	(tag) =	ssettag s2;
	_ =	strace s9  }
0x27: {  	s1 =	sld [smem:$0x3FAB]  }
0x28: {  	s2 =	sld [smem:$0x3FAC]  }
0x29: {  	s4 =	sld [smem:$0x3FAE]  }
0x2a: {  	p0 =	seq.s32 s5, $0x0;
	s5 =	sld [smem:$0x3FAF]  }
0x2b: {  	s6 =	sld [smem:$0x3FB0]  }
0x2c: {  	s7 =	sld [smem:$0x3FB1]  }
0x2d: {  	s3 =	simm.s32 $0x108;
	s8 =	sld [smem:$0x3FB2]  }
0x2e: {  	s3 =	simm.s32 @!p0 $0x1082;
	s9 =	sld [smem:$0x3FB3]  }
0x2f: {  	lr =	sadd.s32 s0, s3;
	s0 =	sld [smem:$0x3FAA]  }
0x30: {  	s3 =	sld [smem:$0x3FAD]  }
0x31: {  	[smem:$0x3FB6] =	sst s10  }
0x32: {  	s10 =	sld [smem:$0x3FB4];
	_ =	sdelay $0x3  }
0x33: {  	p0 =	seq.s32 s10, $0x1;
	s10 =	sld [smem:$0x3FB6];
	_ =	sdelay $0x3  }
0x34: {  	[smem:$0x3FB6] =	sst s10  }
0x35: {  	s10 =	sld [smem:$0x3FB5];
	_ =	sdelay $0x3  }
0x36: {  	p1 =	seq.s32 s10, $0x1;
	s10 =	sld [smem:$0x3FB6];
	_ =	sdelay $0x3  }
0x37: {  	[smem:$0x3FB6] =	sst s10  }
0x38: {  	s10 =	sld [smem:$0x3FB7]  }
0x39: {  	_ = 	snop;
	(pc) =	sbr.ind lr, $3  }
0x3a: {  	_ = 	snop  }
0x3b: {  	_ = 	snop  }
0x3c: {  	p2 =	seq.s32 s10, $0x1;
	s10 =	sld [smem:$0x3FB6]  }
0x3d: {  	_ =	shalt  }
0x3e: {  	_ =	shalt  }
0x3f: {  	_ =	shalt  }
0x40: {  	_ =	shalt  }
0x41: {  	_ =	shalt  }
0x42: {  	_ =	shalt  }
0x43: {  	_ =	shalt  }
0x44: {  	_ =	shalt  }
0x45: {  	_ =	shalt  }
0x46: {  	_ =	shalt  }
0x47: {  	_ =	shalt  }
0x48: {  	_ =	shalt  }
0x49: {  	_ =	shalt  }
0x4a: {  	_ =	shalt  }
0x4b: {  	_ =	shalt  }
0x4c: {  	_ =	shalt  }
0x4d: {  	_ =	shalt  }
0x4e: {  	_ =	shalt  }
0x4f: {  	_ =	shalt  }
0x50: {  	_ =	shalt  }
0x51: {  	_ =	shalt  }
0x52: {  	_ =	shalt  }
0x53: {  	_ =	shalt  }
0x54: {  	_ =	shalt  }
0x55: {  	_ =	shalt  }
0x56: {  	_ =	shalt  }
0x57: {  	_ =	shalt  }
0x58: {  	_ =	shalt  }
0x59: {  	_ =	shalt  }
0x5a: {  	_ =	shalt  }
0x5b: {  	_ =	shalt  }
0x5c: {  	_ =	shalt  }
0x5d: {  	_ =	shalt  }
0x5e: {  	_ =	shalt  }
0x5f: {  	_ =	shalt  }
0x60: {  	_ =	shalt  }
0x61: {  	_ =	shalt  }
0x62: {  	_ =	shalt  }
0x63: {  	_ =	shalt  }
0x64: {  	_ =	shalt  }
0x65: {  	_ =	shalt  }
0x66: {  	_ =	shalt  }
0x67: {  	_ =	shalt  }
0x68: {  	_ =	shalt  }
0x69: {  	_ =	shalt  }
0x6a: {  	_ =	shalt  }
0x6b: {  	_ =	shalt  }
0x6c: {  	_ =	shalt  }
0x6d: {  	_ =	shalt  }
0x6e: {  	_ =	shalt  }
0x6f: {  	_ =	shalt  }
0x70: {  	_ =	shalt  }
0x71: {  	_ =	shalt  }
0x72: {  	_ =	shalt  }
0x73: {  	_ =	shalt  }
0x74: {  	_ =	shalt  }
0x75: {  	_ =	shalt  }
0x76: {  	_ =	shalt  }
0x77: {  	_ =	shalt  }
0x78: {  	_ =	shalt  }
0x79: {  	_ =	shalt  }
0x7a: {  	_ =	shalt  }
0x7b: {  	_ =	shalt  }
0x7c: {  	_ =	shalt  }
0x7d: {  	_ =	shalt  }
0x7e: {  	_ =	shalt  }
0x7f: {  	_ =	shalt  }
0x80: {  	_ =	shalt  }
0x81: {  	_ =	shalt  }
0x82: {  	_ =	shalt  }
0x83: {  	_ =	shalt  }
0x84: {  	_ =	shalt  }
0x85: {  	_ =	shalt  }
0x86: {  	_ =	shalt  }
0x87: {  	_ =	shalt  }
.Lfunc_end0:
.L_simem_size_0:
called_computation.2_lowered:
.L_overlay_start_0:
0x88: {  	s2 =	sld [smem:$0x3FD9]  }
0x89: {  	s3 =	sld [smem:$0x3FFE];
	_ =	sdelay $0x1  }
0x8a: {  	s1 =	srdreg.scid  }
0x8b: {  	s0 =	sand.u32 $0x1, s1  }
0x8c: {  	s17 =	sshll.u32 s0, $0xA;
	s2 =	sadd.s32 s3, s2  }
0x8d: {  	s2 =	sadd.s32 s2, s17  }
0x8e: {  	[smem:$0x3FC2] =	sst s2  }
0x8f: {  	_ = 	snop  }
0x90: {  	s2 =	sld [smem:$0x3FD0];
	(tm) =	ssettm $0x1  }
0x91: {  	s18 =	sld [smem:$0x3FFB];
	_ =	sdelay $0x3  }
0x92: {  	_ =	strace s18  }
0x93: {  	s3 =	sld [smem:$0x3FFC];
	_ =	sdelay $0x3  }
0x94: {  	_ =	strace s3  }
0x95: {  	s3 =	sld [smem:$0x3FFD];
	_ =	sdelay $0x3  }
0x96: {  	_ =	strace s3  }
0x97: {  	_ =	strace $0x8FFFFFFF  }
0x98: {  	s19 =	sld [smem:$0x3FDB];
	_ =	sdelay $0x1  }
0x99: {  	s4 =	simm.s32 $_scs_section_size  }
0x9a: {  	s5 =	simm.s32 $_size__tile_overlayer_lowered;
	s6 =	simm.s32 $_tile_overlayer_lowered  }
0x9b: {  	s22 =	simm.s32 $0x1BFF;
	s21 =	sshll.u32 s6, $0x1;
	s3 =	sadd.s32 s4, s19  }
0x9c: {  	s7 =	simm.s32 $0x0;
	s20 =	sshll.u32 s5, $0x1;
	s5 =	sadd.s32 s21, s3  }
0x9d: {  	[timem:s7], [sflag:s22] =	dma.local [hbm:s5], s20  }
0x9e: {  	_ =	swait.ge [sflag:s22], s20  }
0x9f: {  	s4 =	ssub.s32 $0x0, s20;
	[sflag:s22] =	ssyncset.done $0x0  }
0xa0: {  	[sflag:s22] =	ssyncadd.s32 s4;
	_ =	sdelay $0x1  }
0xa1: {  	s23 =	simm.s32 $0x1B8B  }
0xa2: {  	_ =	swait.ge [sflag:s23], $0x1  }
0xa3: {  	[sflag:s23] =	ssyncset.done $0x0  }
0xa4: {  	s25 =	simm.s32 $0x1B8E;
	s24 =	sld [smem:$0x3FFE];
	[sflag:s23] =	ssyncadd.s32 $0xFFFFFFFF  }
0xa5: {  	s26 =	simm.s32 $execute0_lowered;
	[smem:$0x3FD2] =	sst s25  }
0xa6: {  	s5 =	sshll.u32 s26, $0x1;
	_ =	strace $0x8000004C;
	[dreg:$0x1] =	wrdreg $0xFFFFFFFF  }
0xa7: {  	s28 =	simm.s32 $_size_execute0_lowered;
	s3 =	sadd.s32 s3, s5;
	[dreg:$0x0] =	wrdreg $0x0  }
0xa8: {  	s5 =	sshll.u32 s28, $0x1;
	[dreg:$0x2] =	wrdreg s3  }
0xa9: {  	[dreg:$0x3] =	wrdreg s5  }
0xaa: {  	[dreg:$0x4] =	wrdreg $0xC0  }
0xab: {  	_ =	task [dreg:s7], $0x5FFFF  }
0xac: {  	[dreg:$0x1] =	wrdreg $0xFFFFFFFF  }
0xad: {  	[dreg:$0x0] =	wrdreg $0x60  }
0xae: {  	[dreg:$0x2] =	wrdreg s2  }
0xaf: {  	[dreg:$0x3] =	wrdreg s24  }
0xb0: {  	[dreg:$0x4] =	wrdreg $0x83400  }
0xb1: {  	[dreg:$0x5] =	wrdreg $0x9  }
0xb2: {  	_ =	task.clear_ibuf [dreg:s7], $0x6FFFF;
	_ =	strace $0x9000004C  }
0xb3: {  	s29 =	simm.s32 $0x9;
	_ =	strace $0x8000004E  }
0xb4: {  	_ =	swait.ge [sflag:s29], $0x1  }
0xb5: {  	[sflag:s29] =	ssyncadd.s32 $0xFFFFFFFF  }
0xb6: {  	_ =	strace $0x9000004E  }
0xb7: {  	_ =	sfence  }
0xb8: {  	s30 =	sld [smem:$0x0];
	_ =	sdelay $0x2  }
0xb9: {  	s31 =	sshll.u32 s1, $0xD;
	s1 =	sshrl.u32 s1, $0x2  }
0xba: {  	s3 =	sand.u32 $0x4000, s31;
	s1 =	sadd.s32 s1, s30  }
0xbb: {  	s0 =	sor.u32 s3, s0;
	s1 =	sshll.u32 s1, $0x11  }
0xbc: {  	s0 =	sor.u32 s1, s0  }
0xbd: {  	s0 =	sadd.s32 $0x8F2B, s0  }
0xbe: {  	[sflag:s0] =	ssyncadd.remote.s32 $0x1  }
0xbf: {  	_ =	sfence.sel $0xFFFF  }
0xc0: {  	[dreg:$0x0] =	wrdreg $0xFFFFFFFF;
	(pc) =	sbr.abs _section_cstart, $3  }
0xc1: {  	[dreg:$0x1] =	wrdreg $0xFFFFFFFF  }
0xc2: {  	_ =	task.clear_ibuf [dreg:s7], $0x2FFFF;
	_ =	strace $0x9FFFFFFF  }
0xc3: {  	(tm) =	ssettm $0x7FFFFFFF  }
tec
execute0_lowered:
.L_overlay_start_1:
0x0: {  	(tag) =	ssettag $0x1  }
0x1: {  	s1 =	rddreg [dreg:$0x0]  }
0x2: {  	s2 =	srdreg.scid;
	s4 =	rddreg [dreg:$0x1]  }
0x3: {  	s0 =	stileid.u32;
	s7 =	rddreg [dreg:$0x2]  }
0x4: {  	s3 =	simm.s32 $0x0;
	s12 =	simm.s32 $0x1;
	s6 =	smul.u32 $0x28A0, s0  }
0x5: {  	s13 =	simm.s32 $0x6A40;
	s14 =	simm.s32 $0x2;
	s10 =	smul.u32 $0x13880, s0  }
0x6: {  	s15 =	simm.s32 $0x2838;
	s5 =	sand.u32 $0x1, s2;
	s11 =	smul.u32 $0x4E200, s0  }
0x7: {  	s18 =	simm.s32 $0x0;
	s2 =	rddreg [dreg:$0x3];
	s8 =	smul.u32 $0x28A00, s5  }
0x8: {  	[smem:$0x7FF] =	sst s3;
	s16 =	sshll.u32 s0, $0x6;
	s9 =	smul.u32 $0x138800, s5  }
0x9: {  	_ =	strace $0x8000004D;
	s5 =	ssub.s32 $0x2, s5;
	s16 =	sor.u32 $0x1C03, s16  }
0xa: {  	s30 =	sshrl.u32 s5, $0x1;
	s31 =	sshrl.u32 s11, $0x2;
	s11 =	simm.s32 $0x5140  }
0xb: {  	s8 =	sadd.s32 s6, s8;
	s6 =	sshrl.u32 s6, $0x3;
	s9 =	sadd.s32 s10, s9  }
0xc: {  	s10 =	ssub.s32 s5, s30;
	s17 =	sadd.s32 s31, s7;
	s8 =	sshrl.u32 s8, $0x3  }
0xd: {  	s9 =	sshrl.u32 s9, $0x3;
	s6 =	sadd.s32 s6, s4;
	s7 =	smax.u32 s10, $0x1  }
0xe: {  	s10 =	simm.s32 $0x64;
	s17 =	sshrl.u32 s17, $0x3;
	s8 =	sadd.s32 s8, s4  }
0xf: {  	s9 =	sadd.s32 s9, s4;
	s5 =	sadd.s32 $0x13200, s6;
	s4 =	sadd.s32 $0x8E00, s8  }
0x10: {  	s6 =	sadd.s32 $0x66600, s9;
	s8 =	simm.s32 $0x3;
	s9 =	simm.s32 $0x28A0  }
.LBB2_1:
0x11: {  	[tilespmem:s3], [sflag:$0x3] =	stream.linear.gather [hbm4b:s4+s3], $0x28A0, $0x38;
	[tilespmem:$0x1BBC0] =	vst v63  }
0x12: {  	_ =	swait.ge [sflag:s8], $0x28A0  }
0x13: {  	[sflag:s8] =	ssyncset.done $0x0  }
0x14: {  	[sflag:s8] =	ssyncadd.s32 $0xFFFFD760  }
0x15: {  	[tilespmem:s9], [sflag:$0x3] =	stream.linear.gather [hbm4b:s5+s3], $0x28A0, $0x38;
	[tilespmem:$0x1BBC0] =	vst v63  }
0x16: {  	_ =	swait.ge [sflag:s8], $0x28A0  }
0x17: {  	[sflag:s8] =	ssyncset.done $0x0  }
0x18: {  	[sflag:s8] =	ssyncadd.s32 $0xFFFFD760  }
0x19: {  	[bflag:$0x0] =	sbarrier.arrive $0xFFFF  }
0x1a: {  	[tilespmem:s11], [sflag:$0x1] =	stream.indirect.gather [hbm4b:s1+s10], $0x40, s3, s10, $0xb8;
	[tilespmem:$0x1BBC0] =	vst v63  }
0x1b: {  	_ =	swait.ge [sflag:s12], $0x1900  }
0x1c: {  	[sflag:s12] =	ssyncset.done $0x0  }
0x1d: {  	s19 =	simm.s32 $0x68;
	[sflag:s12] =	ssyncadd.s32 $0xFFFFE700  }
0x1e: {  	[tilespmem:s13], [sflag:$0x2] =	stream.indirect.gather [hbm4b:s1+s10], $0x40, s19, s10, $0xb8;
	[tilespmem:$0x1BBC0] =	vst v63  }
0x1f: {  	_ =	swait.ge [sflag:s14], $0x1900  }
0x20: {  	[sflag:s14] =	ssyncset.done $0x0  }
0x21: {  	s20 =	simm.s32 $0xD0;
	s19 =	simm.s32 $0xFFFF6400;
	[sflag:s14] =	ssyncadd.s32 $0xFFFFE700  }
.LBB2_2:
0x22: {  	[tilespmem:s11], [sflag:$0x1] =	stream.indirect.gather [hbm4b:s1+s10], $0x40, s20, s10, $0xb8;
	[tilespmem:$0x1BBC0] =	vst v63  }
0x23: {  	s20 =	smov.u32 s19  }
0x24: {  	p0 =	sne.s32 s19, $0xFFFFFCC0;
	s19 =	sadd.s32 $0x340, s19;
	_ =	swait.ge [sflag:s12], $0x1900  }
0x25: {  	s20 =	sshra.s32 s20, $0x2;
	[sflag:s12] =	ssyncset.done $0x0  }
.Ltmp0:
0x26: {  	s21 =	sadd.s32 $0x2838, s20;
	[sflag:s12] =	ssyncadd.s32 $0xFFFFE700;
	(pc) =	sbr.rel @p0 .LBB2_2-.Ltmp0, $4  }
0x27: {  	[tilespmem:s13], [sflag:$0x2] =	stream.indirect.gather [hbm4b:s1+s10], $0x40, s21, s10, $0xb8;
	[tilespmem:$0x1BBC0] =	vst v63  }
0x28: {  	_ =	swait.ge [sflag:s14], $0x1900  }
0x29: {  	[sflag:s14] =	ssyncset.done $0x0  }
0x2a: {  	s20 =	sadd.s32 $0x28A0, s20;
	[sflag:s14] =	ssyncadd.s32 $0xFFFFE700  }
0x2b: {  	[tilespmem:s11], [sflag:$0x1] =	stream.indirect.gather [hbm4b:s1+s10], $0x40, s20, s10, $0xb8;
	[tilespmem:$0x1BBC0] =	vst v63  }
0x2c: {  	_ =	swait.ge [sflag:s12], $0x1900  }
0x2d: {  	[sflag:s12] =	ssyncset.done $0x0  }
0x2e: {  	[sflag:s12] =	ssyncadd.s32 $0xFFFFE700  }
0x2f: {  	[tilespmem:s13], [sflag:$0x2] =	stream.indirect.gather [hbm4b:s1+s10], $0x40, s15, s10, $0xb8;
	[tilespmem:$0x1BBC0] =	vst v63  }
0x30: {  	_ =	swait.ge [sflag:s14], $0x1900  }
0x31: {  	s18 =	sadd.s32 $0x1, s18;
	[sflag:s14] =	ssyncset.done $0x0  }
0x32: {  	p0 =	sne.s32 s18, s7;
	[sflag:s14] =	ssyncadd.s32 $0xFFFFE700  }
.Ltmp1:
0x33: {  	[bflag:$0x0] =	sbarrier.arrive $0xFFFF;
	(pc) =	sbr.rel @p0 .LBB2_1-.Ltmp1, $4  }
0x34: {  	[hbm:s6], [sflag:s16] =	dma.local [spmem:s17], $0x2710  }
0x35: {  	_ =	swait.ge [sflag:s8], $0x2710  }
0x36: {  	[sflag:s8] =	ssyncset.done $0x0  }
0x37: {  	[sflag:s8] =	ssyncadd.s32 $0xFFFFD8F0  }
0x38: {  	_ =	sfence.sel $0x180000  }
0x39: {  	[bflag:$0x0] =	sbarrier.arrive $0xFFFF  }
0x3a: {  	p0 =	sne.s32 s0, $0x0;
	_ =	strace $0x9000004D  }
0x3b: {  	s0 =	sadd.s32 @!p0 $0x100000, s2;
	[bflag:$0x2] =	sbarrier.arrive $0xFFFF  }
0x3c: {  	[sflag:s0] =	ssyncadd.tile.s32 @!p0 $0x1;
	_ =	shalt  }
.Lfunc_end2:
_tile_overlayer_lowered:
.L_overlay_start_2:
0x3d: {  	(tag) =	ssettag $0x2  }
0x3e: {  	s0 =	rddreg [dreg:$0x0];
	s2 =	stileid.u32  }
0x3f: {  	s1 =	rddreg [dreg:$0x1];
	p0 =	sne.s32 s2, $0x0  }
0x40: {  	s3 =	rddreg [dreg:$0x2];
	[bflag:$0x3] =	sbarrier.arrive $0xFFFF;
	s2 =	simm.s32 @!p0 $0x1C03  }
0x41: {  	[timem:s3], [sflag:s2] =	dma.local @!p0 [hbm:s0], s1  }
0x42: {  	s0 =	simm.s32 @!p0 $0x3  }
0x43: {  	_ =	swait.ge @!p0 [sflag:s0], s1  }
0x44: {  	s1 =	ssub.s32 @!p0 $0x0, s1;
	[sflag:s0] =	ssyncset.done @!p0 $0x0  }
0x45: {  	[sflag:s0] =	ssyncadd.s32 @!p0 s1  }
0x46: {  	[bflag:$0x3] =	sbarrier.arrive $0xFFFF  }
0x47: {  	_ =	shalt  }

// kernel: kernel.8.cloned.1.call-start
scs
__scs_entry_jumppad:
0x0: {  	(pc) =	sbr.rel $0x88, $3  }
0x1: {  	(tag) =	ssettag $0x0;
	lr =	simm.s32 $0x1  }
0x2: {  	[smem:$0x3F9B] =	sst lr;
	_ =	strace $0xD0000000  }
0x3: {  	_ = 	snop  }
0x4: {  	_ = 	snop  }
0x5: {  	_ = 	snop  }
0x6: {  	_ = 	snop  }
0x7: {  	_ = 	snop  }
__scs_overlays_trampoline_lowered:
0x8: {  	[smem:$0x3FAA] =	sst s0  }
0x9: {  	[smem:$0x3FAB] =	sst s1  }
0xa: {  	[smem:$0x3FAC] =	sst s2  }
0xb: {  	[smem:$0x3FAD] =	sst s3  }
0xc: {  	[smem:$0x3FAE] =	sst s4  }
0xd: {  	[smem:$0x3FAF] =	sst s5  }
0xe: {  	[smem:$0x3FB0] =	sst s6  }
0xf: {  	[smem:$0x3FB1] =	sst s7  }
0x10: {  	[smem:$0x3FB2] =	sst s8  }
0x11: {  	[smem:$0x3FB3] =	sst s9;
	s0 =	simm.s32 @!p0 $0x0  }
0x12: {  	s1 =	sld [smem:$0x3F99];
	s0 =	simm.s32 @p0 $0x1  }
0x13: {  	[smem:$0x3FB4] =	sst s0;
	s0 =	simm.s32 @!p1 $0x0  }
0x14: {  	s2 =	sld [smem:$0x3F98];
	s0 =	simm.s32 @p1 $0x1  }
0x15: {  	[smem:$0x3FB5] =	sst s0;
	s0 =	simm.s32 @!p2 $0x0  }
0x16: {  	s3 =	sld [smem:$0x3FDB];
	s0 =	simm.s32 @p2 $0x1  }
0x17: {  	s4 =	simm.s32 $0x1BF5;
	[smem:$0x3FB7] =	sst s0  }
0x18: {  	s0 =	sld [smem:$0x3F9A];
	_ =	swait.ge [sflag:s4], $0x0  }
0x19: {  	s7 =	sld [smem:$0x3F9B]  }
0x1a: {  	s8 =	sadd.s32 $0xFFFFE003, lr  }
0x1b: {  	s9 =	sadd.s32 $0xFFFFFEF7, lr;
	s5 =	simm.s32 $0xFFFFFFFF;
	p2 =	slt.u32 s8, $0xFFFFF086  }
0x1c: {  	p1 =	slt.u32 s9, $0xF7A;
	s5 =	simm.s32 @!p2 $0x0  }
0x1d: {  	s5 =	simm.s32 @p1 $0x1;
	p0 =	seq.s32 s7, s2  }
0x1e: {  	s7 =	smul.u32 @!p0 $0xF7A, s2;
	p2 =	seq.s32 @!p0 s5, $0x0  }
0x1f: {  	s9 =	smul.u32 $0xF7A, s1;
	s8 =	simm.s32 @!p0 $0x1BF5;
	p2 =	por !p2, p0  }
0x20: {  	[sflag:s8] =	ssyncset.s32 @!p0 $0xFFFFF086;
	s6 =	sadd.s32 @!p0 s3, s7;
	s7 =	simm.s32 @!p0 $0x108  }
0x21: {  	s3 =	sadd.s32 s3, s9;
	s6 =	sadd.s32 @!p0 $0x88, s6;
	s7 =	simm.s32 @p2 $0x1082  }
0x22: {  	[simem:s7], [sflag:s8] =	dma.local @!p0 [hbm:s6], $0xF7A  }
0x23: {  	s9 =	sor.u32 $0xD0000000, s2;
	s6 =	simm.s32 $0x108;
	_ =	swait.ge @!p0 [sflag:s8], $0x0  }
0x24: {  	s3 =	sadd.s32 $0x88, s3;
	s6 =	simm.s32 @!p1 $0x1082;
	[sflag:s4] =	ssyncset.s32 $0xFFFFF086  }
0x25: {  	[simem:s6], [sflag:s4] =	dma.local [hbm:s3], $0xF7A  }
0x26: {  	[smem:$0x3F9B] =	sst s1;
	(tag) =	ssettag s2;
	_ =	strace s9  }
0x27: {  	s1 =	sld [smem:$0x3FAB]  }
0x28: {  	s2 =	sld [smem:$0x3FAC]  }
0x29: {  	s4 =	sld [smem:$0x3FAE]  }
0x2a: {  	p0 =	seq.s32 s5, $0x0;
	s5 =	sld [smem:$0x3FAF]  }
0x2b: {  	s6 =	sld [smem:$0x3FB0]  }
0x2c: {  	s7 =	sld [smem:$0x3FB1]  }
0x2d: {  	s3 =	simm.s32 $0x108;
	s8 =	sld [smem:$0x3FB2]  }
0x2e: {  	s3 =	simm.s32 @!p0 $0x1082;
	s9 =	sld [smem:$0x3FB3]  }
0x2f: {  	lr =	sadd.s32 s0, s3;
	s0 =	sld [smem:$0x3FAA]  }
0x30: {  	s3 =	sld [smem:$0x3FAD]  }
0x31: {  	[smem:$0x3FB6] =	sst s10  }
0x32: {  	s10 =	sld [smem:$0x3FB4];
	_ =	sdelay $0x3  }
0x33: {  	p0 =	seq.s32 s10, $0x1;
	s10 =	sld [smem:$0x3FB6];
	_ =	sdelay $0x3  }
0x34: {  	[smem:$0x3FB6] =	sst s10  }
0x35: {  	s10 =	sld [smem:$0x3FB5];
	_ =	sdelay $0x3  }
0x36: {  	p1 =	seq.s32 s10, $0x1;
	s10 =	sld [smem:$0x3FB6];
	_ =	sdelay $0x3  }
0x37: {  	[smem:$0x3FB6] =	sst s10  }
0x38: {  	s10 =	sld [smem:$0x3FB7]  }
0x39: {  	_ = 	snop;
	(pc) =	sbr.ind lr, $3  }
0x3a: {  	_ = 	snop  }
0x3b: {  	_ = 	snop  }
0x3c: {  	p2 =	seq.s32 s10, $0x1;
	s10 =	sld [smem:$0x3FB6]  }
0x3d: {  	_ =	shalt  }
0x3e: {  	_ =	shalt  }
0x3f: {  	_ =	shalt  }
0x40: {  	_ =	shalt  }
0x41: {  	_ =	shalt  }
0x42: {  	_ =	shalt  }
0x43: {  	_ =	shalt  }
0x44: {  	_ =	shalt  }
0x45: {  	_ =	shalt  }
0x46: {  	_ =	shalt  }
0x47: {  	_ =	shalt  }
0x48: {  	_ =	shalt  }
0x49: {  	_ =	shalt  }
0x4a: {  	_ =	shalt  }
0x4b: {  	_ =	shalt  }
0x4c: {  	_ =	shalt  }
0x4d: {  	_ =	shalt  }
0x4e: {  	_ =	shalt  }
0x4f: {  	_ =	shalt  }
0x50: {  	_ =	shalt  }
0x51: {  	_ =	shalt  }
0x52: {  	_ =	shalt  }
0x53: {  	_ =	shalt  }
0x54: {  	_ =	shalt  }
0x55: {  	_ =	shalt  }
0x56: {  	_ =	shalt  }
0x57: {  	_ =	shalt  }
0x58: {  	_ =	shalt  }
0x59: {  	_ =	shalt  }
0x5a: {  	_ =	shalt  }
0x5b: {  	_ =	shalt  }
0x5c: {  	_ =	shalt  }
0x5d: {  	_ =	shalt  }
0x5e: {  	_ =	shalt  }
0x5f: {  	_ =	shalt  }
0x60: {  	_ =	shalt  }
0x61: {  	_ =	shalt  }
0x62: {  	_ =	shalt  }
0x63: {  	_ =	shalt  }
0x64: {  	_ =	shalt  }
0x65: {  	_ =	shalt  }
0x66: {  	_ =	shalt  }
0x67: {  	_ =	shalt  }
0x68: {  	_ =	shalt  }
0x69: {  	_ =	shalt  }
0x6a: {  	_ =	shalt  }
0x6b: {  	_ =	shalt  }
0x6c: {  	_ =	shalt  }
0x6d: {  	_ =	shalt  }
0x6e: {  	_ =	shalt  }
0x6f: {  	_ =	shalt  }
0x70: {  	_ =	shalt  }
0x71: {  	_ =	shalt  }
0x72: {  	_ =	shalt  }
0x73: {  	_ =	shalt  }
0x74: {  	_ =	shalt  }
0x75: {  	_ =	shalt  }
0x76: {  	_ =	shalt  }
0x77: {  	_ =	shalt  }
0x78: {  	_ =	shalt  }
0x79: {  	_ =	shalt  }
0x7a: {  	_ =	shalt  }
0x7b: {  	_ =	shalt  }
0x7c: {  	_ =	shalt  }
0x7d: {  	_ =	shalt  }
0x7e: {  	_ =	shalt  }
0x7f: {  	_ =	shalt  }
0x80: {  	_ =	shalt  }
0x81: {  	_ =	shalt  }
0x82: {  	_ =	shalt  }
0x83: {  	_ =	shalt  }
0x84: {  	_ =	shalt  }
0x85: {  	_ =	shalt  }
0x86: {  	_ =	shalt  }
0x87: {  	_ =	shalt  }
.Lfunc_end0:
.L_simem_size_0:
called_computation_lowered:
.L_overlay_start_0:
0x88: {  	s2 =	sld [smem:$0x3FD9]  }
0x89: {  	s3 =	sld [smem:$0x3FFE];
	_ =	sdelay $0x1  }
0x8a: {  	s1 =	srdreg.scid  }
0x8b: {  	s0 =	sand.u32 $0x1, s1  }
0x8c: {  	s17 =	sshll.u32 s0, $0xA;
	s2 =	sadd.s32 s3, s2  }
0x8d: {  	s2 =	sadd.s32 s2, s17  }
0x8e: {  	[smem:$0x3FC2] =	sst s2  }
0x8f: {  	_ = 	snop  }
0x90: {  	s2 =	sld [smem:$0x3FD0];
	(tm) =	ssettm $0x1  }
0x91: {  	s18 =	sld [smem:$0x3FFB];
	_ =	sdelay $0x3  }
0x92: {  	_ =	strace s18  }
0x93: {  	s3 =	sld [smem:$0x3FFC];
	_ =	sdelay $0x3  }
0x94: {  	_ =	strace s3  }
0x95: {  	s3 =	sld [smem:$0x3FFD];
	_ =	sdelay $0x3  }
0x96: {  	_ =	strace s3  }
0x97: {  	_ =	strace $0x8FFFFFFF  }
0x98: {  	s19 =	sld [smem:$0x3FDB];
	_ =	sdelay $0x1  }
0x99: {  	s4 =	simm.s32 $_scs_section_size  }
0x9a: {  	s5 =	simm.s32 $_size__tile_overlayer_lowered;
	s6 =	simm.s32 $_tile_overlayer_lowered  }
0x9b: {  	s22 =	simm.s32 $0x1BFF;
	s21 =	sshll.u32 s6, $0x1;
	s3 =	sadd.s32 s4, s19  }
0x9c: {  	s7 =	simm.s32 $0x0;
	s20 =	sshll.u32 s5, $0x1;
	s5 =	sadd.s32 s21, s3  }
0x9d: {  	[timem:s7], [sflag:s22] =	dma.local [hbm:s5], s20  }
0x9e: {  	_ =	swait.ge [sflag:s22], s20  }
0x9f: {  	s4 =	ssub.s32 $0x0, s20;
	[sflag:s22] =	ssyncset.done $0x0  }
0xa0: {  	[sflag:s22] =	ssyncadd.s32 s4;
	_ =	sdelay $0x1  }
0xa1: {  	s23 =	simm.s32 $0x1B8B  }
0xa2: {  	_ =	swait.ge [sflag:s23], $0x1  }
0xa3: {  	[sflag:s23] =	ssyncset.done $0x0  }
0xa4: {  	s25 =	simm.s32 $0x1B8E;
	s24 =	sld [smem:$0x3FFE];
	[sflag:s23] =	ssyncadd.s32 $0xFFFFFFFF  }
0xa5: {  	s26 =	simm.s32 $execute0_lowered;
	[smem:$0x3FD2] =	sst s25  }
0xa6: {  	s5 =	sshll.u32 s26, $0x1;
	_ =	strace $0x80000046;
	[dreg:$0x1] =	wrdreg $0xFFFFFFFF  }
0xa7: {  	s28 =	simm.s32 $_size_execute0_lowered;
	s3 =	sadd.s32 s3, s5;
	[dreg:$0x0] =	wrdreg $0x0  }
0xa8: {  	s5 =	sshll.u32 s28, $0x1;
	[dreg:$0x2] =	wrdreg s3  }
0xa9: {  	[dreg:$0x3] =	wrdreg s5  }
0xaa: {  	[dreg:$0x4] =	wrdreg $0xC0  }
0xab: {  	_ =	task [dreg:s7], $0x5FFFF  }
0xac: {  	[dreg:$0x1] =	wrdreg $0xFFFFFFFF  }
0xad: {  	[dreg:$0x0] =	wrdreg $0x60  }
0xae: {  	[dreg:$0x2] =	wrdreg s24  }
0xaf: {  	[dreg:$0x3] =	wrdreg s2  }
0xb0: {  	[dreg:$0x4] =	wrdreg $0x90880  }
0xb1: {  	[dreg:$0x5] =	wrdreg $0x9  }
0xb2: {  	_ =	task.clear_ibuf [dreg:s7], $0x6FFFF;
	_ =	strace $0x90000046  }
0xb3: {  	s29 =	simm.s32 $0x9;
	_ =	strace $0x80000048  }
0xb4: {  	_ =	swait.ge [sflag:s29], $0x1  }
0xb5: {  	[sflag:s29] =	ssyncadd.s32 $0xFFFFFFFF  }
0xb6: {  	_ =	strace $0x90000048  }
0xb7: {  	_ =	sfence  }
0xb8: {  	s30 =	sld [smem:$0x0];
	_ =	sdelay $0x2  }
0xb9: {  	s31 =	sshll.u32 s1, $0xD;
	s1 =	sshrl.u32 s1, $0x2  }
0xba: {  	s3 =	sand.u32 $0x4000, s31;
	s1 =	sadd.s32 s1, s30  }
0xbb: {  	s0 =	sor.u32 s3, s0;
	s1 =	sshll.u32 s1, $0x11  }
0xbc: {  	s0 =	sor.u32 s1, s0  }
0xbd: {  	s0 =	sadd.s32 $0x8F2B, s0  }
0xbe: {  	[sflag:s0] =	ssyncadd.remote.s32 $0x1  }
0xbf: {  	_ =	sfence.sel $0xFFFF  }
0xc0: {  	[dreg:$0x0] =	wrdreg $0xFFFFFFFF;
	(pc) =	sbr.abs _section_cstart, $3  }
0xc1: {  	[dreg:$0x1] =	wrdreg $0xFFFFFFFF  }
0xc2: {  	_ =	task.clear_ibuf [dreg:s7], $0x2FFFF;
	_ =	strace $0x9FFFFFFF  }
0xc3: {  	(tm) =	ssettm $0x7FFFFFFF  }
tec
execute0_lowered:
.L_overlay_start_1:
0x0: {  	(tag) =	ssettag $0x1  }
0x1: {  	s0 =	srdreg.scid  }
0x2: {  	s14 =	sand.u32 $0x1, s0  }
0x3: {  	s0 =	stileid.u32;
	s1 =	smul.u32 $0x13880, s14  }
0x4: {  	s8 =	rddreg [dreg:$0x0];
	s3 =	smul.u32 $0x1388, s0  }
0x5: {  	s15 =	rddreg [dreg:$0x1]  }
0x6: {  	s2 =	rddreg [dreg:$0x2];
	s4 =	sadd.s32 s3, s1  }
0x7: {  	s1 =	rddreg [dreg:$0x3];
	s3 =	simm.s32 $0x0;
	s4 =	sshrl.u32 s4, $0x3  }
0x8: {  	[smem:$0x7FF] =	sst s3;
	s4 =	sadd.s32 s4, s8  }
0x9: {  	_ =	strace $0x80000047;
	s5 =	sadd.s32 $0x3E00, s4;
	s4 =	simm.s32 $0x1  }
0xa: {  	[tilespmem:s3], [sflag:$0x1] =	stream.linear.gather [hbm4b:s5+s3], $0x1388, $0x38;
	[tilespmem:$0xB798] =	vst v63  }
0xb: {  	_ =	swait.ge [sflag:s4], $0x1388  }
0xc: {  	[sflag:s4] =	ssyncset.done $0x0  }
0xd: {  	s7 =	simm.s32 $0x1388;
	s6 =	sadd.s32 $0x2E00, s8;
	[sflag:s4] =	ssyncadd.s32 $0xFFFFEC78  }
0xe: {  	[tilespmem:s7], [sflag:$0x1] =	stream.linear.gather [hbm4b:s6+s3], $0x3E80, $0x38;
	[tilespmem:$0xB798] =	vst v63  }
0xf: {  	_ =	swait.ge [sflag:s4], $0x3E80  }
0x10: {  	s9 =	simm.s32 $0x5208;
	[sflag:s4] =	ssyncset.done $0x0  }
0x11: {  	s10 =	smul.u32 $0x9C40, s0;
	s8 =	sadd.s32 $0x35D0, s8;
	[sflag:s4] =	ssyncadd.s32 $0xFFFFC180  }
0x12: {  	[tilespmem:s9], [sflag:$0x1] =	stream.linear.gather [hbm4b:s8+s3], $0x3E80, $0x38;
	[tilespmem:$0xB798] =	vst v63  }
0x13: {  	_ =	swait.ge [sflag:s4], $0x3E80  }
0x14: {  	s10 =	sshrl.u32 s10, $0x2;
	[sflag:s4] =	ssyncset.done $0x0  }
0x15: {  	s10 =	sadd.s32 s10, s2;
	[sflag:s4] =	ssyncadd.s32 $0xFFFFC180  }
0x16: {  	[spmem:s10] =	stream.linear.scatter [tilespmem:s9], [sflag:$0x1], $0x2710, $0x38;
	[tilespmem:$0xB798] =	vst v63  }
0x17: {  	_ =	swait.ge [sflag:s4], $0x2710  }
0x18: {  	[sflag:s4] =	ssyncset.done $0x0  }
0x19: {  	[sflag:s4] =	ssyncadd.s32 $0xFFFFD8F0  }
0x1a: {  	s11 =	simm.s32 $0x3E8;
	[bflag:$0x0] =	sbarrier.arrive $0xFFFF  }
0x1b: {  	[spmem:s2] =	stream.indirect.scatter.add.f32 [tilespmem:s7], [sflag:$0x1], $0x10, s3, s11, $0xb8;
	[tilespmem:$0xB798] =	vst v63  }
0x1c: {  	_ =	swait.ge [sflag:s4], $0x3E80  }
0x1d: {  	[sflag:s4] =	ssyncset.done $0x0  }
0x1e: {  	[sflag:s4] =	ssyncadd.s32 $0xFFFFC180  }
0x1f: {  	[spmem:s2] =	stream.indirect.scatter.add.f32 [tilespmem:s7], [sflag:$0x1], $0x10, s11, s11, $0xb8;
	[tilespmem:$0xB798] =	vst v63  }
0x20: {  	_ =	swait.ge [sflag:s4], $0x3E80  }
0x21: {  	[sflag:s4] =	ssyncset.done $0x0  }
0x22: {  	s12 =	simm.s32 $0x7D0;
	[sflag:s4] =	ssyncadd.s32 $0xFFFFC180  }
0x23: {  	[spmem:s2] =	stream.indirect.scatter.add.f32 [tilespmem:s7], [sflag:$0x1], $0x10, s12, s11, $0xb8;
	[tilespmem:$0xB798] =	vst v63  }
0x24: {  	_ =	swait.ge [sflag:s4], $0x3E80  }
0x25: {  	[sflag:s4] =	ssyncset.done $0x0  }
0x26: {  	s13 =	simm.s32 $0xBB8;
	s16 =	smul.u32 $0x27100, s14;
	[sflag:s4] =	ssyncadd.s32 $0xFFFFC180  }
0x27: {  	[spmem:s2] =	stream.indirect.scatter.add.f32 [tilespmem:s7], [sflag:$0x1], $0x10, s13, s11, $0xb8;
	[tilespmem:$0xB798] =	vst v63  }
0x28: {  	s17 =	smul.u32 $0x2710, s0;
	s18 =	ssub.s32 $0x2, s14;
	_ =	swait.ge [sflag:s4], $0x3E80  }
0x29: {  	s14 =	simm.s32 $0xFA0;
	s30 =	sshrl.u32 s18, $0x1;
	[sflag:s4] =	ssyncset.done $0x0  }
0x2a: {  	s16 =	sadd.s32 s17, s16;
	s17 =	ssub.s32 s18, s30;
	[sflag:s4] =	ssyncadd.s32 $0xFFFFC180  }
0x2b: {  	[spmem:s2] =	stream.indirect.scatter.add.f32 [tilespmem:s7], [sflag:$0x1], $0x10, s14, s11, $0xb8;
	[tilespmem:$0xB798] =	vst v63  }
0x2c: {  	s31 =	sshll.u32 s0, $0x6;
	s18 =	smax.u32 s17, $0x1;
	_ =	swait.ge [sflag:s4], $0x3E80  }
0x2d: {  	s16 =	sshrl.u32 s16, $0x3;
	p0 =	sne.s32 s18, $0x1;
	[sflag:s4] =	ssyncset.done $0x0  }
.Ltmp0:
0x2e: {  	s15 =	sadd.s32 s15, s16;
	[sflag:s4] =	ssyncadd.s32 $0xFFFFC180;
	(pc) =	sbr.rel @!p0 .LBB2_2-.Ltmp0, $4  }
0x2f: {  	s16 =	sor.u32 $0x1C01, s31;
	s17 =	sshrl.u32 s10, $0x3;
	[bflag:$0x0] =	sbarrier.arrive $0xFFFF  }
0x30: {  	[hbm:s15], [sflag:s16] =	dma.local [spmem:s17], $0x4E2  }
0x31: {  	_ =	swait.ge [sflag:s4], $0x4E2  }
0x32: {  	s18 =	sadd.s32 $0xFFFFFFFF, s18;
	[sflag:s4] =	ssyncset.done $0x0  }
.LBB2_1:
0x33: {  	p0 =	sne.s32 s18, $0x1;
	s18 =	sadd.s32 $0xFFFFFFFF, s18;
	[sflag:s4] =	ssyncadd.s32 $0xFFFFFB1E  }
0x34: {  	[tilespmem:s3], [sflag:$0x1] =	stream.linear.gather [hbm4b:s5+s3], $0x1388, $0x38;
	[tilespmem:$0xB798] =	vst v63  }
0x35: {  	_ =	swait.ge [sflag:s4], $0x1388  }
0x36: {  	[sflag:s4] =	ssyncset.done $0x0  }
0x37: {  	[sflag:s4] =	ssyncadd.s32 $0xFFFFEC78  }
0x38: {  	[tilespmem:s7], [sflag:$0x1] =	stream.linear.gather [hbm4b:s6+s3], $0x3E80, $0x38;
	[tilespmem:$0xB798] =	vst v63  }
0x39: {  	_ =	swait.ge [sflag:s4], $0x3E80  }
0x3a: {  	[sflag:s4] =	ssyncset.done $0x0  }
0x3b: {  	[sflag:s4] =	ssyncadd.s32 $0xFFFFC180  }
0x3c: {  	[tilespmem:s9], [sflag:$0x1] =	stream.linear.gather [hbm4b:s8+s3], $0x3E80, $0x38;
	[tilespmem:$0xB798] =	vst v63  }
0x3d: {  	_ =	swait.ge [sflag:s4], $0x3E80  }
0x3e: {  	[sflag:s4] =	ssyncset.done $0x0  }
0x3f: {  	[sflag:s4] =	ssyncadd.s32 $0xFFFFC180  }
0x40: {  	[spmem:s10] =	stream.linear.scatter [tilespmem:s9], [sflag:$0x1], $0x2710, $0x38;
	[tilespmem:$0xB798] =	vst v63  }
0x41: {  	_ =	swait.ge [sflag:s4], $0x2710  }
0x42: {  	[sflag:s4] =	ssyncset.done $0x0  }
0x43: {  	[sflag:s4] =	ssyncadd.s32 $0xFFFFD8F0  }
0x44: {  	[bflag:$0x0] =	sbarrier.arrive $0xFFFF  }
0x45: {  	[spmem:s2] =	stream.indirect.scatter.add.f32 [tilespmem:s7], [sflag:$0x1], $0x10, s3, s11, $0xb8;
	[tilespmem:$0xB798] =	vst v63  }
0x46: {  	_ =	swait.ge [sflag:s4], $0x3E80  }
0x47: {  	[sflag:s4] =	ssyncset.done $0x0  }
0x48: {  	[sflag:s4] =	ssyncadd.s32 $0xFFFFC180  }
0x49: {  	[spmem:s2] =	stream.indirect.scatter.add.f32 [tilespmem:s7], [sflag:$0x1], $0x10, s11, s11, $0xb8;
	[tilespmem:$0xB798] =	vst v63  }
0x4a: {  	_ =	swait.ge [sflag:s4], $0x3E80  }
0x4b: {  	[sflag:s4] =	ssyncset.done $0x0  }
0x4c: {  	[sflag:s4] =	ssyncadd.s32 $0xFFFFC180  }
0x4d: {  	[spmem:s2] =	stream.indirect.scatter.add.f32 [tilespmem:s7], [sflag:$0x1], $0x10, s12, s11, $0xb8;
	[tilespmem:$0xB798] =	vst v63  }
0x4e: {  	_ =	swait.ge [sflag:s4], $0x3E80  }
0x4f: {  	[sflag:s4] =	ssyncset.done $0x0  }
0x50: {  	[sflag:s4] =	ssyncadd.s32 $0xFFFFC180  }
0x51: {  	[spmem:s2] =	stream.indirect.scatter.add.f32 [tilespmem:s7], [sflag:$0x1], $0x10, s13, s11, $0xb8;
	[tilespmem:$0xB798] =	vst v63  }
0x52: {  	_ =	swait.ge [sflag:s4], $0x3E80  }
0x53: {  	[sflag:s4] =	ssyncset.done $0x0  }
0x54: {  	[sflag:s4] =	ssyncadd.s32 $0xFFFFC180  }
0x55: {  	[spmem:s2] =	stream.indirect.scatter.add.f32 [tilespmem:s7], [sflag:$0x1], $0x10, s14, s11, $0xb8;
	[tilespmem:$0xB798] =	vst v63  }
0x56: {  	_ =	swait.ge [sflag:s4], $0x3E80  }
0x57: {  	[sflag:s4] =	ssyncset.done $0x0  }
.Ltmp1:
0x58: {  	[sflag:s4] =	ssyncadd.s32 $0xFFFFC180;
	(pc) =	sbr.rel @p0 .LBB2_1-.Ltmp1, $4  }
0x59: {  	[bflag:$0x0] =	sbarrier.arrive $0xFFFF  }
0x5a: {  	[hbm:s15], [sflag:s16] =	dma.local [spmem:s17], $0x4E2  }
0x5b: {  	_ =	swait.ge [sflag:s4], $0x4E2  }
0x5c: {  	[sflag:s4] =	ssyncset.done $0x0  }
.LBB2_2:
0x5d: {  	[sflag:s4] =	ssyncadd.s32 $0xFFFFFB1E  }
0x5e: {  	_ =	sfence.sel $0x180000  }
0x5f: {  	[bflag:$0x0] =	sbarrier.arrive $0xFFFF  }
0x60: {  	p0 =	sne.s32 s0, $0x0;
	_ =	strace $0x90000047  }
0x61: {  	s0 =	sadd.s32 @!p0 $0x100000, s1;
	[bflag:$0x2] =	sbarrier.arrive $0xFFFF  }
0x62: {  	[sflag:s0] =	ssyncadd.tile.s32 @!p0 $0x1;
	_ =	shalt  }
.Lfunc_end2:
_tile_overlayer_lowered:
.L_overlay_start_2:
0x63: {  	(tag) =	ssettag $0x2  }
0x64: {  	s0 =	rddreg [dreg:$0x0];
	s2 =	stileid.u32  }
0x65: {  	s1 =	rddreg [dreg:$0x1];
	p0 =	sne.s32 s2, $0x0  }
0x66: {  	s3 =	rddreg [dreg:$0x2];
	[bflag:$0x3] =	sbarrier.arrive $0xFFFF;
	s2 =	simm.s32 @!p0 $0x1C01  }
0x67: {  	[timem:s3], [sflag:s2] =	dma.local @!p0 [hbm:s0], s1  }
0x68: {  	s0 =	simm.s32 @!p0 $0x1  }
0x69: {  	_ =	swait.ge @!p0 [sflag:s0], s1  }
0x6a: {  	s1 =	ssub.s32 @!p0 $0x0, s1;
	[sflag:s0] =	ssyncset.done @!p0 $0x0  }
0x6b: {  	[sflag:s0] =	ssyncadd.s32 @!p0 s1  }
0x6c: {  	[bflag:$0x3] =	sbarrier.arrive $0xFFFF  }
0x6d: {  	_ =	shalt  }

</sc_bundles>
